<compile_context>
chip_gen: v7x
topology: tpu7x:2x2x1
jax: 0.10.2.dev20260603
libtpu: 0.0.44.dev20260713+nightly
codegen_flags: <defaults>
</compile_context>

<pallas_src>
import functools

import jax
import jax.numpy as jnp
from jax import lax
from jax.experimental import pallas as pl
from jax.experimental.pallas import tpu as pltpu
from jax.experimental.pallas import tpu_sc as plsc

N = 100000
D = 128
B = 64
R = 10000
G = N // R
NW = 32
CH = 80
NCH = N // CH
CW = 16
ND = D // 16


def _sc_stats(x, seg2):
    mesh = plsc.VectorSubcoreMesh(core_axis_name="c", subcore_axis_name="s")

    @functools.partial(
        pl.kernel, mesh=mesh,
        out_type=[
            jax.ShapeDtypeStruct((NW, B, D), jnp.float32),
            jax.ShapeDtypeStruct((NW, B, D), jnp.float32),
            jax.ShapeDtypeStruct((NW, B, CW), jnp.float32),
        ],
        scratch_types=[
            pltpu.VMEM((CH, D), jnp.float32),
            pltpu.VMEM((144,), jnp.int32),
            pltpu.VMEM((B, D), jnp.float32),
            pltpu.VMEM((B, D), jnp.float32),
            pltpu.VMEM((B, CW), jnp.float32),
        ],
    )
    def k(x_hbm, seg_hbm, sum_out, sq_out, cnt_out,
          xbuf, idxbuf, accs, accq, cntb):
        c = lax.axis_index("c")
        s = lax.axis_index("s")
        wid = s * 2 + c

        zero = jnp.zeros((16,), jnp.float32)

        def zrow(b, _):
            for d in range(ND):
                accs[b, pl.ds(16 * d, 16)] = zero
                accq[b, pl.ds(16 * d, 16)] = zero
            cntb[b] = zero
            return 0
        lax.fori_loop(0, B, zrow, 0)

        def chunk(t, _):
            kk = wid + t * NW
            pltpu.sync_copy(x_hbm.at[pl.ds(kk * CH, CH)], xbuf)
            pltpu.sync_copy(seg_hbm.at[kk], idxbuf.at[pl.ds(0, 128)])
            sv0 = idxbuf[pl.ds(0, 16)][0]
            svl = idxbuf[pl.ds(CH - 16, 16)][15]

            def fast(_):
                def frow(r, cy):
                    vals = []
                    for d in range(ND):
                        v = xbuf[r, pl.ds(16 * d, 16)]
                        vals.append(cy[d] + v)
                        vals.append(cy[ND + d] + v * v)
                    return tuple(vals[0::2]) + tuple(vals[1::2])

                acc = lax.fori_loop(0, CH, frow, tuple([zero] * (2 * ND)))
                for d in range(ND):
                    accs[sv0, pl.ds(16 * d, 16)] += acc[d]
                    accq[sv0, pl.ds(16 * d, 16)] += acc[ND + d]
                cntb[sv0] += jnp.full((16,), CH, jnp.float32)
                return 0

            def slow(_):
                def srow(r, _c):
                    sv = idxbuf[pl.ds(r, 16)][0]
                    for d in range(ND):
                        v = xbuf[r, pl.ds(16 * d, 16)]
                        accs[sv, pl.ds(16 * d, 16)] += v
                        accq[sv, pl.ds(16 * d, 16)] += v * v
                    cntb[sv] += jnp.full((16,), 1.0, jnp.float32)
                    return 0
                return lax.fori_loop(0, CH, srow, 0)

            lax.cond(sv0 == svl, fast, slow, 0)
            return 0

        nt = (NCH - wid - 1) // NW + 1
        lax.fori_loop(0, nt, chunk, 0)

        pltpu.sync_copy(accs, sum_out.at[wid])
        pltpu.sync_copy(accq, sq_out.at[wid])
        pltpu.sync_copy(cntb, cnt_out.at[wid])

    return k(x, seg2)


def _apply_body(ids_ref, x_ref, sum_ref, sq_ref, cnt_ref,
                w_ref, b_ref, ms_ref, out_ref, tab_ref):
    i = pl.program_id(0)

    @pl.when(i == 0)
    def _():
        s = jnp.sum(sum_ref[...], axis=0)
        q = jnp.sum(sq_ref[...], axis=0)
        c = jnp.maximum(jnp.sum(cnt_ref[...], axis=0)[:, 0:1], 1.0)
        mean = s / c
        mm = mean * ms_ref[...]
        segsq = q - 2.0 * mm * s + c * mm * mm
        rstd = lax.rsqrt(segsq / c + 1e-6)
        scale = w_ref[...] * rstd
        shift = b_ref[...] - mm * scale
        tab_ref[...] = jnp.concatenate([scale, shift],
                                       axis=1).astype(jnp.bfloat16)

    ids = ids_ref[0]
    iota = lax.broadcasted_iota(jnp.int32, (B, 1), 0)
    oh = (iota == ids).astype(jnp.bfloat16)
    g = lax.dot_general(oh, tab_ref[...], (((0,), (0,)), ((), ())),
                        preferred_element_type=jnp.float32)
    out_ref[...] = x_ref[...] * g[:, :D] + g[:, D:]


def _tc_apply(x, seg_row, sums, sqs, cnts, weight, bias, mean_scale):
    return pl.pallas_call(
        _apply_body,
        grid=(G,),
        in_specs=[
            pl.BlockSpec((1, 1, R), lambda i: (i, 0, 0)),
            pl.BlockSpec((R, D), lambda i: (i, 0)),
            pl.BlockSpec((NW, B, D), lambda i: (0, 0, 0)),
            pl.BlockSpec((NW, B, D), lambda i: (0, 0, 0)),
            pl.BlockSpec((NW, B, CW), lambda i: (0, 0, 0)),
            pl.BlockSpec((1, D), lambda i: (0, 0)),
            pl.BlockSpec((1, D), lambda i: (0, 0)),
            pl.BlockSpec((1, D), lambda i: (0, 0)),
        ],
        out_specs=pl.BlockSpec((R, D), lambda i: (i, 0)),
        out_shape=jax.ShapeDtypeStruct((N, D), jnp.float32),
        scratch_shapes=[pltpu.VMEM((B, 2 * D), jnp.bfloat16)],
    )(seg_row, x, sums, sqs, cnts, weight, bias, mean_scale)


def kernel(x, segment_ids, weight, bias, mean_scale):
    seg = segment_ids.astype(jnp.int32)
    seg_pad = jnp.pad(seg.reshape(NCH, CH), ((0, 0), (0, 128 - CH)))
    sums, sqs, cnts = _sc_stats(x, seg_pad)
    return _tc_apply(x, seg.reshape(G, 1, R), sums, sqs, cnts,
                     weight.reshape(1, D), bias.reshape(1, D),
                     mean_scale.reshape(1, D))

# --- scband reference (transcript-rebuilt; emitter-appended) ---
"""Pipeline reference for scband-graph-norm-54460185313547 (READ-ONLY COPY).

The authoritative reference and input builder live on the scoring server;
editing this copy changes nothing except your own understanding.
"""

import jax, jax.numpy as jnp
import numpy as np

N = 100000
D = 128
B = 64

def setup_inputs(seed: int = 0) -> dict:
    key = jax.random.key(seed)
    k1, k2 = jax.random.split(key)
    x = jax.random.normal(k1, (N, D), dtype=jnp.float32)
    segment_ids = jnp.sort(jax.random.randint(k2, (N,), 0, B)).astype(jnp.int64)
    # learned parameters per init_kwargs (hidden_dim=128)
    weight = jnp.ones((D,), dtype=jnp.float32)
    bias = jnp.zeros((D,), dtype=jnp.float32)
    mean_scale = jnp.ones((D,), dtype=jnp.float32)
    return {"x": x, "segment_ids": segment_ids, "weight": weight, "bias": bias, "mean_scale": mean_scale}

def reference(x, segment_ids, weight, bias, mean_scale):
    # GraphNorm: per-subgraph mean (scaled by mean_scale) subtraction and per-subgraph std normalization.
    # batch_index in the torch code == segment_ids here; gid dict is encoded as segment_ids.
    counts = jnp.bincount(segment_ids, length=B).astype(x.dtype)
    counts = jnp.maximum(counts, 1.0)
    # mean = scatter_add(tensor) / batch_list, broadcast back via repeat_interleave == gather by segment_ids
    seg_sum = jax.ops.segment_sum(x, segment_ids, num_segments=B)
    mean = seg_sum / counts[:, None]
    sub = x - mean[segment_ids] * mean_scale
    # std = sqrt(scatter_add(sub^2)/batch_list + 1e-6), broadcast back
    seg_sq = jax.ops.segment_sum(sub * sub, segment_ids, num_segments=B)
    std = jnp.sqrt(seg_sq / counts[:, None] + 1e-06)
    return weight * sub / std[segment_ids] + bias

if __name__ == "__main__":
    import jax
    _d = setup_inputs()
    print(jax.jit(kernel)(*tuple(_d.values())))

</pallas_src>

<mosaic_0001>
#map = affine_map<(d0, d1) -> (0, 0)>
#map1 = affine_map<(d0, d1) -> (0, 0, 0)>
module attributes {stable_mosaic.version = 14 : i64} {
  func.func @k(%arg0: i32, %arg1: i32, %arg2: memref<100000x128xf32, #tpu.memory_space<hbm>>, %arg3: memref<1250x128xi32, #tpu.memory_space<hbm>>, %arg4: memref<32x64x128xf32, #tpu.memory_space<hbm>>, %arg5: memref<32x64x128xf32, #tpu.memory_space<hbm>>, %arg6: memref<32x64x16xf32, #tpu.memory_space<hbm>>, %arg7: memref<80x128xf32, #tpu.memory_space<vmem>>, %arg8: memref<144xi32, #tpu.memory_space<vmem>>, %arg9: memref<64x128xf32, #tpu.memory_space<vmem>>, %arg10: memref<64x128xf32, #tpu.memory_space<vmem>>, %arg11: memref<64x16xf32, #tpu.memory_space<vmem>>) attributes {dimension_semantics = [#tpu.dimension_semantics<core_parallel>, #tpu.dimension_semantics<subcore_parallel>], iteration_bounds = array<i64: 2, 16>, scalar_prefetch = 0 : i64, scratch_operands = 5 : i64, tpu.core_type = #tpu.core_type<sc_vector_subcore>, window_params = [{transform_indices = #map}, {transform_indices = #map}, {transform_indices = #map1}, {transform_indices = #map1}, {transform_indices = #map1}]} {
    %mul3A = arith.constant 2 : i32
    %mul3A_0 = arith.muli %arg1, %mul3A : i32
    %add3A = arith.addi %mul3A_0, %arg0 : i32
    %broadcast_in_dim3A = arith.constant 0.000000e+00 : f32
    %broadcast_in_dim3A_1 = vector.broadcast %broadcast_in_dim3A : f32 to vector<16xf32>
    %scan3A = arith.constant 0 : i32
    %scan3A_2 = arith.constant 0 : i32
    %scan3A_3 = arith.constant 64 : i32
    %scan3A_4 = arith.addi %scan3A_2, %scan3A_3 : i32
    %scan3A_5 = arith.constant 1 : i32
    %scan3A_6 = scf.for %scan3A_41 = %scan3A_2 to %scan3A_4 step %scan3A_5 iter_args(%scan3A_42 = %scan3A) -> (i32)  : i32 {
      %swap3A = arith.index_cast %scan3A_41 : i32 to index
      %swap3A_43 = arith.constant 0 : index
      %swap3A_44 = tpu.vector_load %arg9[%swap3A, %swap3A_43] {strides = array<i32>} : memref<64x128xf32, #tpu.memory_space<vmem>>, vector<1x16xf32>,
      %swap3A_45 = vector.shape_cast %swap3A_44 : vector<1x16xf32> to vector<16xf32>
      %swap3A_46 = vector.shape_cast %broadcast_in_dim3A_1 : vector<16xf32> to vector<1x16xf32>
      tpu.vector_store %arg9[%swap3A, %swap3A_43], %swap3A_46 {strides = array<i32>} : memref<64x128xf32, #tpu.memory_space<vmem>>, vector<1x16xf32>,
      %swap3A_47 = arith.index_cast %scan3A_41 : i32 to index
      %swap3A_48 = arith.constant 0 : index
      %swap3A_49 = tpu.vector_load %arg10[%swap3A_47, %swap3A_48] {strides = array<i32>} : memref<64x128xf32, #tpu.memory_space<vmem>>, vector<1x16xf32>,
      %swap3A_50 = vector.shape_cast %swap3A_49 : vector<1x16xf32> to vector<16xf32>
      %swap3A_51 = vector.shape_cast %broadcast_in_dim3A_1 : vector<16xf32> to vector<1x16xf32>
      tpu.vector_store %arg10[%swap3A_47, %swap3A_48], %swap3A_51 {strides = array<i32>} : memref<64x128xf32, #tpu.memory_space<vmem>>, vector<1x16xf32>,
      %swap3A_52 = arith.index_cast %scan3A_41 : i32 to index
      %swap3A_53 = arith.constant 16 : index
      %swap3A_54 = tpu.vector_load %arg9[%swap3A_52, %swap3A_53] {strides = array<i32>} : memref<64x128xf32, #tpu.memory_space<vmem>>, vector<1x16xf32>,
      %swap3A_55 = vector.shape_cast %swap3A_54 : vector<1x16xf32> to vector<16xf32>
      %swap3A_56 = vector.shape_cast %broadcast_in_dim3A_1 : vector<16xf32> to vector<1x16xf32>
      tpu.vector_store %arg9[%swap3A_52, %swap3A_53], %swap3A_56 {strides = array<i32>} : memref<64x128xf32, #tpu.memory_space<vmem>>, vector<1x16xf32>,
      %swap3A_57 = arith.index_cast %scan3A_41 : i32 to index
      %swap3A_58 = arith.constant 16 : index
      %swap3A_59 = tpu.vector_load %arg10[%swap3A_57, %swap3A_58] {strides = array<i32>} : memref<64x128xf32, #tpu.memory_space<vmem>>, vector<1x16xf32>,
      %swap3A_60 = vector.shape_cast %swap3A_59 : vector<1x16xf32> to vector<16xf32>
      %swap3A_61 = vector.shape_cast %broadcast_in_dim3A_1 : vector<16xf32> to vector<1x16xf32>
      tpu.vector_store %arg10[%swap3A_57, %swap3A_58], %swap3A_61 {strides = array<i32>} : memref<64x128xf32, #tpu.memory_space<vmem>>, vector<1x16xf32>,
      %swap3A_62 = arith.index_cast %scan3A_41 : i32 to index
      %swap3A_63 = arith.constant 32 : index
      %swap3A_64 = tpu.vector_load %arg9[%swap3A_62, %swap3A_63] {strides = array<i32>} : memref<64x128xf32, #tpu.memory_space<vmem>>, vector<1x16xf32>,
      %swap3A_65 = vector.shape_cast %swap3A_64 : vector<1x16xf32> to vector<16xf32>
      %swap3A_66 = vector.shape_cast %broadcast_in_dim3A_1 : vector<16xf32> to vector<1x16xf32>
      tpu.vector_store %arg9[%swap3A_62, %swap3A_63], %swap3A_66 {strides = array<i32>} : memref<64x128xf32, #tpu.memory_space<vmem>>, vector<1x16xf32>,
      %swap3A_67 = arith.index_cast %scan3A_41 : i32 to index
      %swap3A_68 = arith.constant 32 : index
      %swap3A_69 = tpu.vector_load %arg10[%swap3A_67, %swap3A_68] {strides = array<i32>} : memref<64x128xf32, #tpu.memory_space<vmem>>, vector<1x16xf32>,
      %swap3A_70 = vector.shape_cast %swap3A_69 : vector<1x16xf32> to vector<16xf32>
      %swap3A_71 = vector.shape_cast %broadcast_in_dim3A_1 : vector<16xf32> to vector<1x16xf32>
      tpu.vector_store %arg10[%swap3A_67, %swap3A_68], %swap3A_71 {strides = array<i32>} : memref<64x128xf32, #tpu.memory_space<vmem>>, vector<1x16xf32>,
      %swap3A_72 = arith.index_cast %scan3A_41 : i32 to index
      %swap3A_73 = arith.constant 48 : index
      %swap3A_74 = tpu.vector_load %arg9[%swap3A_72, %swap3A_73] {strides = array<i32>} : memref<64x128xf32, #tpu.memory_space<vmem>>, vector<1x16xf32>,
      %swap3A_75 = vector.shape_cast %swap3A_74 : vector<1x16xf32> to vector<16xf32>
      %swap3A_76 = vector.shape_cast %broadcast_in_dim3A_1 : vector<16xf32> to vector<1x16xf32>
      tpu.vector_store %arg9[%swap3A_72, %swap3A_73], %swap3A_76 {strides = array<i32>} : memref<64x128xf32, #tpu.memory_space<vmem>>, vector<1x16xf32>,
      %swap3A_77 = arith.index_cast %scan3A_41 : i32 to index
      %swap3A_78 = arith.constant 48 : index
      %swap3A_79 = tpu.vector_load %arg10[%swap3A_77, %swap3A_78] {strides = array<i32>} : memref<64x128xf32, #tpu.memory_space<vmem>>, vector<1x16xf32>,
      %swap3A_80 = vector.shape_cast %swap3A_79 : vector<1x16xf32> to vector<16xf32>
      %swap3A_81 = vector.shape_cast %broadcast_in_dim3A_1 : vector<16xf32> to vector<1x16xf32>
      tpu.vector_store %arg10[%swap3A_77, %swap3A_78], %swap3A_81 {strides = array<i32>} : memref<64x128xf32, #tpu.memory_space<vmem>>, vector<1x16xf32>,
      %swap3A_82 = arith.index_cast %scan3A_41 : i32 to index
      %swap3A_83 = arith.constant 64 : index
      %swap3A_84 = tpu.vector_load %arg9[%swap3A_82, %swap3A_83] {strides = array<i32>} : memref<64x128xf32, #tpu.memory_space<vmem>>, vector<1x16xf32>,
      %swap3A_85 = vector.shape_cast %swap3A_84 : vector<1x16xf32> to vector<16xf32>
      %swap3A_86 = vector.shape_cast %broadcast_in_dim3A_1 : vector<16xf32> to vector<1x16xf32>
      tpu.vector_store %arg9[%swap3A_82, %swap3A_83], %swap3A_86 {strides = array<i32>} : memref<64x128xf32, #tpu.memory_space<vmem>>, vector<1x16xf32>,
      %swap3A_87 = arith.index_cast %scan3A_41 : i32 to index
      %swap3A_88 = arith.constant 64 : index
      %swap3A_89 = tpu.vector_load %arg10[%swap3A_87, %swap3A_88] {strides = array<i32>} : memref<64x128xf32, #tpu.memory_space<vmem>>, vector<1x16xf32>,
      %swap3A_90 = vector.shape_cast %swap3A_89 : vector<1x16xf32> to vector<16xf32>
      %swap3A_91 = vector.shape_cast %broadcast_in_dim3A_1 : vector<16xf32> to vector<1x16xf32>
      tpu.vector_store %arg10[%swap3A_87, %swap3A_88], %swap3A_91 {strides = array<i32>} : memref<64x128xf32, #tpu.memory_space<vmem>>, vector<1x16xf32>,
      %swap3A_92 = arith.index_cast %scan3A_41 : i32 to index
      %swap3A_93 = arith.constant 80 : index
      %swap3A_94 = tpu.vector_load %arg9[%swap3A_92, %swap3A_93] {strides = array<i32>} : memref<64x128xf32, #tpu.memory_space<vmem>>, vector<1x16xf32>,
      %swap3A_95 = vector.shape_cast %swap3A_94 : vector<1x16xf32> to vector<16xf32>
      %swap3A_96 = vector.shape_cast %broadcast_in_dim3A_1 : vector<16xf32> to vector<1x16xf32>
      tpu.vector_store %arg9[%swap3A_92, %swap3A_93], %swap3A_96 {strides = array<i32>} : memref<64x128xf32, #tpu.memory_space<vmem>>, vector<1x16xf32>,
      %swap3A_97 = arith.index_cast %scan3A_41 : i32 to index
      %swap3A_98 = arith.constant 80 : index
      %swap3A_99 = tpu.vector_load %arg10[%swap3A_97, %swap3A_98] {strides = array<i32>} : memref<64x128xf32, #tpu.memory_space<vmem>>, vector<1x16xf32>,
      %swap3A_100 = vector.shape_cast %swap3A_99 : vector<1x16xf32> to vector<16xf32>
      %swap3A_101 = vector.shape_cast %broadcast_in_dim3A_1 : vector<16xf32> to vector<1x16xf32>
      tpu.vector_store %arg10[%swap3A_97, %swap3A_98], %swap3A_101 {strides = array<i32>} : memref<64x128xf32, #tpu.memory_space<vmem>>, vector<1x16xf32>,
      %swap3A_102 = arith.index_cast %scan3A_41 : i32 to index
      %swap3A_103 = arith.constant 96 : index
      %swap3A_104 = tpu.vector_load %arg9[%swap3A_102, %swap3A_103] {strides = array<i32>} : memref<64x128xf32, #tpu.memory_space<vmem>>, vector<1x16xf32>,
      %swap3A_105 = vector.shape_cast %swap3A_104 : vector<1x16xf32> to vector<16xf32>
      %swap3A_106 = vector.shape_cast %broadcast_in_dim3A_1 : vector<16xf32> to vector<1x16xf32>
      tpu.vector_store %arg9[%swap3A_102, %swap3A_103], %swap3A_106 {strides = array<i32>} : memref<64x128xf32, #tpu.memory_space<vmem>>, vector<1x16xf32>,
      %swap3A_107 = arith.index_cast %scan3A_41 : i32 to index
      %swap3A_108 = arith.constant 96 : index
      %swap3A_109 = tpu.vector_load %arg10[%swap3A_107, %swap3A_108] {strides = array<i32>} : memref<64x128xf32, #tpu.memory_space<vmem>>, vector<1x16xf32>,
      %swap3A_110 = vector.shape_cast %swap3A_109 : vector<1x16xf32> to vector<16xf32>
      %swap3A_111 = vector.shape_cast %broadcast_in_dim3A_1 : vector<16xf32> to vector<1x16xf32>
      tpu.vector_store %arg10[%swap3A_107, %swap3A_108], %swap3A_111 {strides = array<i32>} : memref<64x128xf32, #tpu.memory_space<vmem>>, vector<1x16xf32>,
      %swap3A_112 = arith.index_cast %scan3A_41 : i32 to index
      %swap3A_113 = arith.constant 112 : index
      %swap3A_114 = tpu.vector_load %arg9[%swap3A_112, %swap3A_113] {strides = array<i32>} : memref<64x128xf32, #tpu.memory_space<vmem>>, vector<1x16xf32>,
      %swap3A_115 = vector.shape_cast %swap3A_114 : vector<1x16xf32> to vector<16xf32>
      %swap3A_116 = vector.shape_cast %broadcast_in_dim3A_1 : vector<16xf32> to vector<1x16xf32>
      tpu.vector_store %arg9[%swap3A_112, %swap3A_113], %swap3A_116 {strides = array<i32>} : memref<64x128xf32, #tpu.memory_space<vmem>>, vector<1x16xf32>,
      %swap3A_117 = arith.index_cast %scan3A_41 : i32 to index
      %swap3A_118 = arith.constant 112 : index
      %swap3A_119 = tpu.vector_load %arg10[%swap3A_117, %swap3A_118] {strides = array<i32>} : memref<64x128xf32, #tpu.memory_space<vmem>>, vector<1x16xf32>,
      %swap3A_120 = vector.shape_cast %swap3A_119 : vector<1x16xf32> to vector<16xf32>
      %swap3A_121 = vector.shape_cast %broadcast_in_dim3A_1 : vector<16xf32> to vector<1x16xf32>
      tpu.vector_store %arg10[%swap3A_117, %swap3A_118], %swap3A_121 {strides = array<i32>} : memref<64x128xf32, #tpu.memory_space<vmem>>, vector<1x16xf32>,
      %swap3A_122 = arith.index_cast %scan3A_41 : i32 to index
      %swap3A_123 = arith.constant 0 : index
      %swap3A_124 = tpu.vector_load %arg11[%swap3A_122, %swap3A_123] {strides = array<i32>} : memref<64x16xf32, #tpu.memory_space<vmem>>, vector<1x16xf32>,
      %swap3A_125 = vector.shape_cast %swap3A_124 : vector<1x16xf32> to vector<16xf32>
      %swap3A_126 = vector.shape_cast %broadcast_in_dim3A_1 : vector<16xf32> to vector<1x16xf32>
      tpu.vector_store %arg11[%swap3A_122, %swap3A_123], %swap3A_126 {strides = array<i32>} : memref<64x16xf32, #tpu.memory_space<vmem>>, vector<1x16xf32>,
      %scan3A_127 = arith.constant 0 : i32
      scf.yield %scan3A_127 : i32
    }
    %scan3A_7 = arith.constant 64 : i32
    %sub3A = arith.constant 1250 : i32
    %sub3A_8 = arith.subi %sub3A, %add3A : i32
    %sub3A_9 = arith.constant 1 : i32
    %sub3A_10 = arith.subi %sub3A_8, %sub3A_9 : i32
    %jit3A = arith.constant 32 : i32
    %div3A = arith.divsi %sub3A_10, %jit3A : i32
    %sign3A = arith.constant 0 : i32
    %sign3A_11 = arith.cmpi sgt, %sub3A_10, %sign3A : i32
    %sign3A_12 = arith.extui %sign3A_11 : i1 to i32
    %sign3A_13 = arith.constant 0 : i32
    %sign3A_14 = arith.cmpi slt, %sub3A_10, %sign3A_13 : i32
    %sign3A_15 = arith.extui %sign3A_14 : i1 to i32
    %sign3A_16 = arith.subi %sign3A_12, %sign3A_15 : i32
    %sign3A_17 = arith.constant 0 : i32
    %sign3A_18 = arith.cmpi sgt, %jit3A, %sign3A_17 : i32
    %sign3A_19 = arith.extui %sign3A_18 : i1 to i32
    %sign3A_20 = arith.constant 0 : i32
    %sign3A_21 = arith.cmpi slt, %jit3A, %sign3A_20 : i32
    %sign3A_22 = arith.extui %sign3A_21 : i1 to i32
    %sign3A_23 = arith.subi %sign3A_19, %sign3A_22 : i32
    %ne3A = arith.cmpi ne, %sign3A_16, %sign3A_23 : i32
    %rem3A = arith.remsi %sub3A_10, %jit3A : i32
    %ne3A_24 = arith.constant 0 : i32
    %ne3A_25 = arith.cmpi ne, %rem3A, %ne3A_24 : i32
    %and3A = arith.andi %ne3A, %ne3A_25 : i1
    %sub3A_26 = arith.constant 1 : i32
    %sub3A_27 = arith.subi %div3A, %sub3A_26 : i32
    %select_n3A = arith.select %and3A, %sub3A_27, %div3A : i32
    %add3A_28 = arith.constant 1 : i32
    %add3A_29 = arith.addi %select_n3A, %add3A_28 : i32
    %while3A = arith.constant 0 : i32
    %while3A_30 = arith.constant 0 : i32
    %while3A_31 = arith.subi %add3A_29, %while3A : i32
    %while3A_32 = arith.addi %while3A, %while3A_31 : i32
    %while3A_33 = arith.constant 1 : i32
    %while3A_34 = arith.divsi %while3A_31, %while3A_33 : i32
    %while3A_35 = arith.muli %while3A_34, %while3A_33 : i32
    %while3A_36 = arith.addi %while3A, %while3A_35 : i32
    %while3A_37 = arith.constant 1 : i32
    %while3A_38 = scf.for %while3A_41 = %while3A to %while3A_36 step %while3A_37 iter_args(%while3A_42 = %while3A_30) -> (i32)  : i32 {
      %mul3A_43 = arith.constant 32 : i32
      %mul3A_44 = arith.muli %while3A_41, %mul3A_43 : i32
      %add3A_45 = arith.addi %add3A, %mul3A_44 : i32
      %mul3A_46 = arith.constant 80 : i32
      %mul3A_47 = arith.muli %add3A_45, %mul3A_46 : i32
      "tpu.region"() ({
        %run_scoped3A = tpu.sem_alloc : memref<!tpu.dma_semaphore, #tpu.memory_space<semaphore_mem>>
        %dma_start3A = arith.constant 0 : i32
        %dma_start3A_59 = tpu.memref_slice %arg2[%mul3A_47, %dma_start3A] : memref<100000x128xf32, #tpu.memory_space<hbm>> -> memref<80x128xf32, #tpu.memory_space<hbm>>
        %dma_start3A_60 = arith.constant 0 : i32
        %dma_start3A_61 = tpu.memref_slice %arg2[%mul3A_47, %dma_start3A_60] : memref<100000x128xf32, #tpu.memory_space<hbm>> -> memref<80x128xf32, #tpu.memory_space<hbm>>
        tpu.enqueue_dma source(%dma_start3A_61 : memref<80x128xf32, #tpu.memory_space<hbm>>) target(%arg7 : memref<80x128xf32, #tpu.memory_space<vmem>>) target_semaphore(%run_scoped3A : memref<!tpu.dma_semaphore, #tpu.memory_space<semaphore_mem>>)
        %dma_wait3A = arith.constant 0 : i32
        %dma_wait3A_62 = tpu.memref_slice %arg2[%mul3A_47, %dma_wait3A] : memref<100000x128xf32, #tpu.memory_space<hbm>> -> memref<80x128xf32, #tpu.memory_space<hbm>>
        %dma_wait3A_63 = arith.constant 0 : i32
        %dma_wait3A_64 = tpu.memref_slice %arg2[%mul3A_47, %dma_wait3A_63] : memref<100000x128xf32, #tpu.memory_space<hbm>> -> memref<80x128xf32, #tpu.memory_space<hbm>>
        tpu.wait_dma2 semaphore(%run_scoped3A : memref<!tpu.dma_semaphore, #tpu.memory_space<semaphore_mem>>) src(%dma_wait3A_64 : memref<80x128xf32, #tpu.memory_space<hbm>>) dst(%arg7 : memref<80x128xf32, #tpu.memory_space<vmem>>)
        tpu.yield
      }) : () -> ()
      "tpu.region"() ({
        %run_scoped3A = tpu.sem_alloc : memref<!tpu.dma_semaphore, #tpu.memory_space<semaphore_mem>>
        %dma_start3A = arith.constant 0 : i32
        %dma_start3A_59 = tpu.memref_slice %arg8[%dma_start3A] : memref<144xi32, #tpu.memory_space<vmem>> -> memref<128xi32, #tpu.memory_space<vmem>>
        %dma_start3A_60 = arith.constant 0 : i32
        %dma_start3A_61 = tpu.memref_slice %arg3[%add3A_45, %dma_start3A_60] : memref<1250x128xi32, #tpu.memory_space<hbm>> -> memref<1x128xi32, #tpu.memory_space<hbm>>
        %dma_start3A_62 = tpu.memref_squeeze %dma_start3A_61 : memref<1x128xi32, #tpu.memory_space<hbm>> -> memref<128xi32, #tpu.memory_space<hbm>>
        %dma_start3A_63 = arith.constant 0 : i32
        %dma_start3A_64 = tpu.memref_slice %arg8[%dma_start3A_63] : memref<144xi32, #tpu.memory_space<vmem>> -> memref<128xi32, #tpu.memory_space<vmem>>
        %dma_start3A_65 = arith.constant 0 : i32
        %dma_start3A_66 = tpu.memref_slice %arg3[%add3A_45, %dma_start3A_65] : memref<1250x128xi32, #tpu.memory_space<hbm>> -> memref<1x128xi32, #tpu.memory_space<hbm>>
        %dma_start3A_67 = tpu.memref_squeeze %dma_start3A_66 : memref<1x128xi32, #tpu.memory_space<hbm>> -> memref<128xi32, #tpu.memory_space<hbm>>
        tpu.enqueue_dma source(%dma_start3A_67 : memref<128xi32, #tpu.memory_space<hbm>>) target(%dma_start3A_64 : memref<128xi32, #tpu.memory_space<vmem>>) target_semaphore(%run_scoped3A : memref<!tpu.dma_semaphore, #tpu.memory_space<semaphore_mem>>)
        %dma_wait3A = arith.constant 0 : i32
        %dma_wait3A_68 = tpu.memref_slice %arg8[%dma_wait3A] : memref<144xi32, #tpu.memory_space<vmem>> -> memref<128xi32, #tpu.memory_space<vmem>>
        %dma_wait3A_69 = arith.constant 0 : i32
        %dma_wait3A_70 = tpu.memref_slice %arg3[%add3A_45, %dma_wait3A_69] : memref<1250x128xi32, #tpu.memory_space<hbm>> -> memref<1x128xi32, #tpu.memory_space<hbm>>
        %dma_wait3A_71 = tpu.memref_squeeze %dma_wait3A_70 : memref<1x128xi32, #tpu.memory_space<hbm>> -> memref<128xi32, #tpu.memory_space<hbm>>
        %dma_wait3A_72 = arith.constant 0 : i32
        %dma_wait3A_73 = tpu.memref_slice %arg8[%dma_wait3A_72] : memref<144xi32, #tpu.memory_space<vmem>> -> memref<128xi32, #tpu.memory_space<vmem>>
        %dma_wait3A_74 = arith.constant 0 : i32
        %dma_wait3A_75 = tpu.memref_slice %arg3[%add3A_45, %dma_wait3A_74] : memref<1250x128xi32, #tpu.memory_space<hbm>> -> memref<1x128xi32, #tpu.memory_space<hbm>>
        %dma_wait3A_76 = tpu.memref_squeeze %dma_wait3A_75 : memref<1x128xi32, #tpu.memory_space<hbm>> -> memref<128xi32, #tpu.memory_space<hbm>>
        tpu.wait_dma2 semaphore(%run_scoped3A : memref<!tpu.dma_semaphore, #tpu.memory_space<semaphore_mem>>) src(%dma_wait3A_76 : memref<128xi32, #tpu.memory_space<hbm>>) dst(%dma_wait3A_73 : memref<128xi32, #tpu.memory_space<vmem>>)
        tpu.yield
      }) : () -> ()
      %get3A = arith.constant 0 : index
      %get3A_48 = tpu.vector_load %arg8[%get3A] {strides = array<i32>} : memref<144xi32, #tpu.memory_space<vmem>>, vector<16xi32>,
      %get3A_49 = vector.shape_cast %get3A_48 : vector<16xi32> to vector<16xi32>
      %slice3A = vector.extract_strided_slice %get3A_49 {offsets = [0], sizes = [1], strides = [1]} : vector<16xi32> to vector<1xi32>
      %squeeze3A = vector.extract %slice3A[0] : i32 from vector<1xi32>
      %get3A_50 = arith.constant 64 : index
      %get3A_51 = tpu.vector_load %arg8[%get3A_50] {strides = array<i32>} : memref<144xi32, #tpu.memory_space<vmem>>, vector<16xi32>,
      %get3A_52 = vector.shape_cast %get3A_51 : vector<16xi32> to vector<16xi32>
      %slice3A_53 = vector.extract_strided_slice %get3A_52 {offsets = [15], sizes = [1], strides = [1]} : vector<16xi32> to vector<1xi32>
      %squeeze3A_54 = vector.extract %slice3A_53[0] : i32 from vector<1xi32>
      %eq3A = arith.cmpi eq, %squeeze3A, %squeeze3A_54 : i32
      %convert_element_type3A = arith.extui %eq3A : i1 to i32
      %cond3A = arith.constant 0 : i32
      %cond3A_55 = arith.constant 0 : i32
      %cond3A_56 = arith.cmpi ne, %convert_element_type3A, %cond3A_55 : i32
      %cond3A_57 = scf.if %cond3A_56 -> (i32) {
        %scan3A_59 = arith.constant 0 : i32
        %scan3A_60 = arith.constant 80 : i32
        %scan3A_61 = arith.addi %scan3A_59, %scan3A_60 : i32
        %scan3A_62 = arith.constant 1 : i32
        %scan3A_63:16 = scf.for %scan3A_237 = %scan3A_59 to %scan3A_61 step %scan3A_62 iter_args(%scan3A_238 = %broadcast_in_dim3A_1, %scan3A_239 = %broadcast_in_dim3A_1, %scan3A_240 = %broadcast_in_dim3A_1, %scan3A_241 = %broadcast_in_dim3A_1, %scan3A_242 = %broadcast_in_dim3A_1, %scan3A_243 = %broadcast_in_dim3A_1, %scan3A_244 = %broadcast_in_dim3A_1, %scan3A_245 = %broadcast_in_dim3A_1, %scan3A_246 = %broadcast_in_dim3A_1, %scan3A_247 = %broadcast_in_dim3A_1, %scan3A_248 = %broadcast_in_dim3A_1, %scan3A_249 = %broadcast_in_dim3A_1, %scan3A_250 = %broadcast_in_dim3A_1, %scan3A_251 = %broadcast_in_dim3A_1, %scan3A_252 = %broadcast_in_dim3A_1, %scan3A_253 = %broadcast_in_dim3A_1) -> (vector<16xf32>, vector<16xf32>, vector<16xf32>, vector<16xf32>, vector<16xf32>, vector<16xf32>, vector<16xf32>, vector<16xf32>, vector<16xf32>, vector<16xf32>, vector<16xf32>, vector<16xf32>, vector<16xf32>, vector<16xf32>, vector<16xf32>, vector<16xf32>)  : i32 {
          %get3A_254 = arith.index_cast %scan3A_237 : i32 to index
          %get3A_255 = arith.constant 0 : index
          %get3A_256 = tpu.vector_load %arg7[%get3A_254, %get3A_255] {strides = array<i32>} : memref<80x128xf32, #tpu.memory_space<vmem>>, vector<1x16xf32>,
          %get3A_257 = vector.shape_cast %get3A_256 : vector<1x16xf32> to vector<16xf32>
          %add3A_258 = arith.addf %scan3A_238, %get3A_257 : vector<16xf32>
          %mul3A_259 = arith.mulf %get3A_257, %get3A_257 : vector<16xf32>
          %add3A_260 = arith.addf %scan3A_246, %mul3A_259 : vector<16xf32>
          %get3A_261 = arith.index_cast %scan3A_237 : i32 to index
          %get3A_262 = arith.constant 16 : index
          %get3A_263 = tpu.vector_load %arg7[%get3A_261, %get3A_262] {strides = array<i32>} : memref<80x128xf32, #tpu.memory_space<vmem>>, vector<1x16xf32>,
          %get3A_264 = vector.shape_cast %get3A_263 : vector<1x16xf32> to vector<16xf32>
          %add3A_265 = arith.addf %scan3A_239, %get3A_264 : vector<16xf32>
          %mul3A_266 = arith.mulf %get3A_264, %get3A_264 : vector<16xf32>
          %add3A_267 = arith.addf %scan3A_247, %mul3A_266 : vector<16xf32>
          %get3A_268 = arith.index_cast %scan3A_237 : i32 to index
          %get3A_269 = arith.constant 32 : index
          %get3A_270 = tpu.vector_load %arg7[%get3A_268, %get3A_269] {strides = array<i32>} : memref<80x128xf32, #tpu.memory_space<vmem>>, vector<1x16xf32>,
          %get3A_271 = vector.shape_cast %get3A_270 : vector<1x16xf32> to vector<16xf32>
          %add3A_272 = arith.addf %scan3A_240, %get3A_271 : vector<16xf32>
          %mul3A_273 = arith.mulf %get3A_271, %get3A_271 : vector<16xf32>
          %add3A_274 = arith.addf %scan3A_248, %mul3A_273 : vector<16xf32>
          %get3A_275 = arith.index_cast %scan3A_237 : i32 to index
          %get3A_276 = arith.constant 48 : index
          %get3A_277 = tpu.vector_load %arg7[%get3A_275, %get3A_276] {strides = array<i32>} : memref<80x128xf32, #tpu.memory_space<vmem>>, vector<1x16xf32>,
          %get3A_278 = vector.shape_cast %get3A_277 : vector<1x16xf32> to vector<16xf32>
          %add3A_279 = arith.addf %scan3A_241, %get3A_278 : vector<16xf32>
          %mul3A_280 = arith.mulf %get3A_278, %get3A_278 : vector<16xf32>
          %add3A_281 = arith.addf %scan3A_249, %mul3A_280 : vector<16xf32>
          %get3A_282 = arith.index_cast %scan3A_237 : i32 to index
          %get3A_283 = arith.constant 64 : index
          %get3A_284 = tpu.vector_load %arg7[%get3A_282, %get3A_283] {strides = array<i32>} : memref<80x128xf32, #tpu.memory_space<vmem>>, vector<1x16xf32>,
          %get3A_285 = vector.shape_cast %get3A_284 : vector<1x16xf32> to vector<16xf32>
          %add3A_286 = arith.addf %scan3A_242, %get3A_285 : vector<16xf32>
          %mul3A_287 = arith.mulf %get3A_285, %get3A_285 : vector<16xf32>
          %add3A_288 = arith.addf %scan3A_250, %mul3A_287 : vector<16xf32>
          %get3A_289 = arith.index_cast %scan3A_237 : i32 to index
          %get3A_290 = arith.constant 80 : index
          %get3A_291 = tpu.vector_load %arg7[%get3A_289, %get3A_290] {strides = array<i32>} : memref<80x128xf32, #tpu.memory_space<vmem>>, vector<1x16xf32>,
          %get3A_292 = vector.shape_cast %get3A_291 : vector<1x16xf32> to vector<16xf32>
          %add3A_293 = arith.addf %scan3A_243, %get3A_292 : vector<16xf32>
          %mul3A_294 = arith.mulf %get3A_292, %get3A_292 : vector<16xf32>
          %add3A_295 = arith.addf %scan3A_251, %mul3A_294 : vector<16xf32>
          %get3A_296 = arith.index_cast %scan3A_237 : i32 to index
          %get3A_297 = arith.constant 96 : index
          %get3A_298 = tpu.vector_load %arg7[%get3A_296, %get3A_297] {strides = array<i32>} : memref<80x128xf32, #tpu.memory_space<vmem>>, vector<1x16xf32>,
          %get3A_299 = vector.shape_cast %get3A_298 : vector<1x16xf32> to vector<16xf32>
          %add3A_300 = arith.addf %scan3A_244, %get3A_299 : vector<16xf32>
          %mul3A_301 = arith.mulf %get3A_299, %get3A_299 : vector<16xf32>
          %add3A_302 = arith.addf %scan3A_252, %mul3A_301 : vector<16xf32>
          %get3A_303 = arith.index_cast %scan3A_237 : i32 to index
          %get3A_304 = arith.constant 112 : index
          %get3A_305 = tpu.vector_load %arg7[%get3A_303, %get3A_304] {strides = array<i32>} : memref<80x128xf32, #tpu.memory_space<vmem>>, vector<1x16xf32>,
          %get3A_306 = vector.shape_cast %get3A_305 : vector<1x16xf32> to vector<16xf32>
          %add3A_307 = arith.addf %scan3A_245, %get3A_306 : vector<16xf32>
          %mul3A_308 = arith.mulf %get3A_306, %get3A_306 : vector<16xf32>
          %add3A_309 = arith.addf %scan3A_253, %mul3A_308 : vector<16xf32>
          scf.yield %add3A_258, %add3A_265, %add3A_272, %add3A_279, %add3A_286, %add3A_293, %add3A_300, %add3A_307, %add3A_260, %add3A_267, %add3A_274, %add3A_281, %add3A_288, %add3A_295, %add3A_302, %add3A_309 : vector<16xf32>, vector<16xf32>, vector<16xf32>, vector<16xf32>, vector<16xf32>, vector<16xf32>, vector<16xf32>, vector<16xf32>, vector<16xf32>, vector<16xf32>, vector<16xf32>, vector<16xf32>, vector<16xf32>, vector<16xf32>, vector<16xf32>, vector<16xf32>
        }
        %scan3A_64 = arith.constant 80 : i32
        %get3A_65 = arith.index_cast %squeeze3A : i32 to index
        %get3A_66 = arith.constant 0 : index
        %get3A_67 = tpu.vector_load %arg9[%get3A_65, %get3A_66] {strides = array<i32>} : memref<64x128xf32, #tpu.memory_space<vmem>>, vector<1x16xf32>,
        %get3A_68 = vector.shape_cast %get3A_67 : vector<1x16xf32> to vector<16xf32>
        %add3A_69 = arith.addf %get3A_68, %scan3A_63#0 : vector<16xf32>
        %swap3A = arith.index_cast %squeeze3A : i32 to index
        %swap3A_70 = arith.constant 0 : index
        %swap3A_71 = tpu.vector_load %arg9[%swap3A, %swap3A_70] {strides = array<i32>} : memref<64x128xf32, #tpu.memory_space<vmem>>, vector<1x16xf32>,
        %swap3A_72 = vector.shape_cast %swap3A_71 : vector<1x16xf32> to vector<16xf32>
        %swap3A_73 = vector.shape_cast %add3A_69 : vector<16xf32> to vector<1x16xf32>
        tpu.vector_store %arg9[%swap3A, %swap3A_70], %swap3A_73 {strides = array<i32>} : memref<64x128xf32, #tpu.memory_space<vmem>>, vector<1x16xf32>,
        %get3A_74 = arith.index_cast %squeeze3A : i32 to index
        %get3A_75 = arith.constant 0 : index
        %get3A_76 = tpu.vector_load %arg10[%get3A_74, %get3A_75] {strides = array<i32>} : memref<64x128xf32, #tpu.memory_space<vmem>>, vector<1x16xf32>,
        %get3A_77 = vector.shape_cast %get3A_76 : vector<1x16xf32> to vector<16xf32>
        %add3A_78 = arith.addf %get3A_77, %scan3A_63#8 : vector<16xf32>
        %swap3A_79 = arith.index_cast %squeeze3A : i32 to index
        %swap3A_80 = arith.constant 0 : index
        %swap3A_81 = tpu.vector_load %arg10[%swap3A_79, %swap3A_80] {strides = array<i32>} : memref<64x128xf32, #tpu.memory_space<vmem>>, vector<1x16xf32>,
        %swap3A_82 = vector.shape_cast %swap3A_81 : vector<1x16xf32> to vector<16xf32>
        %swap3A_83 = vector.shape_cast %add3A_78 : vector<16xf32> to vector<1x16xf32>
        tpu.vector_store %arg10[%swap3A_79, %swap3A_80], %swap3A_83 {strides = array<i32>} : memref<64x128xf32, #tpu.memory_space<vmem>>, vector<1x16xf32>,
        %get3A_84 = arith.index_cast %squeeze3A : i32 to index
        %get3A_85 = arith.constant 16 : index
        %get3A_86 = tpu.vector_load %arg9[%get3A_84, %get3A_85] {strides = array<i32>} : memref<64x128xf32, #tpu.memory_space<vmem>>, vector<1x16xf32>,
        %get3A_87 = vector.shape_cast %get3A_86 : vector<1x16xf32> to vector<16xf32>
        %add3A_88 = arith.addf %get3A_87, %scan3A_63#1 : vector<16xf32>
        %swap3A_89 = arith.index_cast %squeeze3A : i32 to index
        %swap3A_90 = arith.constant 16 : index
        %swap3A_91 = tpu.vector_load %arg9[%swap3A_89, %swap3A_90] {strides = array<i32>} : memref<64x128xf32, #tpu.memory_space<vmem>>, vector<1x16xf32>,
        %swap3A_92 = vector.shape_cast %swap3A_91 : vector<1x16xf32> to vector<16xf32>
        %swap3A_93 = vector.shape_cast %add3A_88 : vector<16xf32> to vector<1x16xf32>
        tpu.vector_store %arg9[%swap3A_89, %swap3A_90], %swap3A_93 {strides = array<i32>} : memref<64x128xf32, #tpu.memory_space<vmem>>, vector<1x16xf32>,
        %get3A_94 = arith.index_cast %squeeze3A : i32 to index
        %get3A_95 = arith.constant 16 : index
        %get3A_96 = tpu.vector_load %arg10[%get3A_94, %get3A_95] {strides = array<i32>} : memref<64x128xf32, #tpu.memory_space<vmem>>, vector<1x16xf32>,
        %get3A_97 = vector.shape_cast %get3A_96 : vector<1x16xf32> to vector<16xf32>
        %add3A_98 = arith.addf %get3A_97, %scan3A_63#9 : vector<16xf32>
        %swap3A_99 = arith.index_cast %squeeze3A : i32 to index
        %swap3A_100 = arith.constant 16 : index
        %swap3A_101 = tpu.vector_load %arg10[%swap3A_99, %swap3A_100] {strides = array<i32>} : memref<64x128xf32, #tpu.memory_space<vmem>>, vector<1x16xf32>,
        %swap3A_102 = vector.shape_cast %swap3A_101 : vector<1x16xf32> to vector<16xf32>
        %swap3A_103 = vector.shape_cast %add3A_98 : vector<16xf32> to vector<1x16xf32>
        tpu.vector_store %arg10[%swap3A_99, %swap3A_100], %swap3A_103 {strides = array<i32>} : memref<64x128xf32, #tpu.memory_space<vmem>>, vector<1x16xf32>,
        %get3A_104 = arith.index_cast %squeeze3A : i32 to index
        %get3A_105 = arith.constant 32 : index
        %get3A_106 = tpu.vector_load %arg9[%get3A_104, %get3A_105] {strides = array<i32>} : memref<64x128xf32, #tpu.memory_space<vmem>>, vector<1x16xf32>,
        %get3A_107 = vector.shape_cast %get3A_106 : vector<1x16xf32> to vector<16xf32>
        %add3A_108 = arith.addf %get3A_107, %scan3A_63#2 : vector<16xf32>
        %swap3A_109 = arith.index_cast %squeeze3A : i32 to index
        %swap3A_110 = arith.constant 32 : index
        %swap3A_111 = tpu.vector_load %arg9[%swap3A_109, %swap3A_110] {strides = array<i32>} : memref<64x128xf32, #tpu.memory_space<vmem>>, vector<1x16xf32>,
        %swap3A_112 = vector.shape_cast %swap3A_111 : vector<1x16xf32> to vector<16xf32>
        %swap3A_113 = vector.shape_cast %add3A_108 : vector<16xf32> to vector<1x16xf32>
        tpu.vector_store %arg9[%swap3A_109, %swap3A_110], %swap3A_113 {strides = array<i32>} : memref<64x128xf32, #tpu.memory_space<vmem>>, vector<1x16xf32>,
        %get3A_114 = arith.index_cast %squeeze3A : i32 to index
        %get3A_115 = arith.constant 32 : index
        %get3A_116 = tpu.vector_load %arg10[%get3A_114, %get3A_115] {strides = array<i32>} : memref<64x128xf32, #tpu.memory_space<vmem>>, vector<1x16xf32>,
        %get3A_117 = vector.shape_cast %get3A_116 : vector<1x16xf32> to vector<16xf32>
        %add3A_118 = arith.addf %get3A_117, %scan3A_63#10 : vector<16xf32>
        %swap3A_119 = arith.index_cast %squeeze3A : i32 to index
        %swap3A_120 = arith.constant 32 : index
        %swap3A_121 = tpu.vector_load %arg10[%swap3A_119, %swap3A_120] {strides = array<i32>} : memref<64x128xf32, #tpu.memory_space<vmem>>, vector<1x16xf32>,
        %swap3A_122 = vector.shape_cast %swap3A_121 : vector<1x16xf32> to vector<16xf32>
        %swap3A_123 = vector.shape_cast %add3A_118 : vector<16xf32> to vector<1x16xf32>
        tpu.vector_store %arg10[%swap3A_119, %swap3A_120], %swap3A_123 {strides = array<i32>} : memref<64x128xf32, #tpu.memory_space<vmem>>, vector<1x16xf32>,
        %get3A_124 = arith.index_cast %squeeze3A : i32 to index
        %get3A_125 = arith.constant 48 : index
        %get3A_126 = tpu.vector_load %arg9[%get3A_124, %get3A_125] {strides = array<i32>} : memref<64x128xf32, #tpu.memory_space<vmem>>, vector<1x16xf32>,
        %get3A_127 = vector.shape_cast %get3A_126 : vector<1x16xf32> to vector<16xf32>
        %add3A_128 = arith.addf %get3A_127, %scan3A_63#3 : vector<16xf32>
        %swap3A_129 = arith.index_cast %squeeze3A : i32 to index
        %swap3A_130 = arith.constant 48 : index
        %swap3A_131 = tpu.vector_load %arg9[%swap3A_129, %swap3A_130] {strides = array<i32>} : memref<64x128xf32, #tpu.memory_space<vmem>>, vector<1x16xf32>,
        %swap3A_132 = vector.shape_cast %swap3A_131 : vector<1x16xf32> to vector<16xf32>
        %swap3A_133 = vector.shape_cast %add3A_128 : vector<16xf32> to vector<1x16xf32>
        tpu.vector_store %arg9[%swap3A_129, %swap3A_130], %swap3A_133 {strides = array<i32>} : memref<64x128xf32, #tpu.memory_space<vmem>>, vector<1x16xf32>,
        %get3A_134 = arith.index_cast %squeeze3A : i32 to index
        %get3A_135 = arith.constant 48 : index
        %get3A_136 = tpu.vector_load %arg10[%get3A_134, %get3A_135] {strides = array<i32>} : memref<64x128xf32, #tpu.memory_space<vmem>>, vector<1x16xf32>,
        %get3A_137 = vector.shape_cast %get3A_136 : vector<1x16xf32> to vector<16xf32>
        %add3A_138 = arith.addf %get3A_137, %scan3A_63#11 : vector<16xf32>
        %swap3A_139 = arith.index_cast %squeeze3A : i32 to index
        %swap3A_140 = arith.constant 48 : index
        %swap3A_141 = tpu.vector_load %arg10[%swap3A_139, %swap3A_140] {strides = array<i32>} : memref<64x128xf32, #tpu.memory_space<vmem>>, vector<1x16xf32>,
        %swap3A_142 = vector.shape_cast %swap3A_141 : vector<1x16xf32> to vector<16xf32>
        %swap3A_143 = vector.shape_cast %add3A_138 : vector<16xf32> to vector<1x16xf32>
        tpu.vector_store %arg10[%swap3A_139, %swap3A_140], %swap3A_143 {strides = array<i32>} : memref<64x128xf32, #tpu.memory_space<vmem>>, vector<1x16xf32>,
        %get3A_144 = arith.index_cast %squeeze3A : i32 to index
        %get3A_145 = arith.constant 64 : index
        %get3A_146 = tpu.vector_load %arg9[%get3A_144, %get3A_145] {strides = array<i32>} : memref<64x128xf32, #tpu.memory_space<vmem>>, vector<1x16xf32>,
        %get3A_147 = vector.shape_cast %get3A_146 : vector<1x16xf32> to vector<16xf32>
        %add3A_148 = arith.addf %get3A_147, %scan3A_63#4 : vector<16xf32>
        %swap3A_149 = arith.index_cast %squeeze3A : i32 to index
        %swap3A_150 = arith.constant 64 : index
        %swap3A_151 = tpu.vector_load %arg9[%swap3A_149, %swap3A_150] {strides = array<i32>} : memref<64x128xf32, #tpu.memory_space<vmem>>, vector<1x16xf32>,
        %swap3A_152 = vector.shape_cast %swap3A_151 : vector<1x16xf32> to vector<16xf32>
        %swap3A_153 = vector.shape_cast %add3A_148 : vector<16xf32> to vector<1x16xf32>
        tpu.vector_store %arg9[%swap3A_149, %swap3A_150], %swap3A_153 {strides = array<i32>} : memref<64x128xf32, #tpu.memory_space<vmem>>, vector<1x16xf32>,
        %get3A_154 = arith.index_cast %squeeze3A : i32 to index
        %get3A_155 = arith.constant 64 : index
        %get3A_156 = tpu.vector_load %arg10[%get3A_154, %get3A_155] {strides = array<i32>} : memref<64x128xf32, #tpu.memory_space<vmem>>, vector<1x16xf32>,
        %get3A_157 = vector.shape_cast %get3A_156 : vector<1x16xf32> to vector<16xf32>
        %add3A_158 = arith.addf %get3A_157, %scan3A_63#12 : vector<16xf32>
        %swap3A_159 = arith.index_cast %squeeze3A : i32 to index
        %swap3A_160 = arith.constant 64 : index
        %swap3A_161 = tpu.vector_load %arg10[%swap3A_159, %swap3A_160] {strides = array<i32>} : memref<64x128xf32, #tpu.memory_space<vmem>>, vector<1x16xf32>,
        %swap3A_162 = vector.shape_cast %swap3A_161 : vector<1x16xf32> to vector<16xf32>
        %swap3A_163 = vector.shape_cast %add3A_158 : vector<16xf32> to vector<1x16xf32>
        tpu.vector_store %arg10[%swap3A_159, %swap3A_160], %swap3A_163 {strides = array<i32>} : memref<64x128xf32, #tpu.memory_space<vmem>>, vector<1x16xf32>,
        %get3A_164 = arith.index_cast %squeeze3A : i32 to index
        %get3A_165 = arith.constant 80 : index
        %get3A_166 = tpu.vector_load %arg9[%get3A_164, %get3A_165] {strides = array<i32>} : memref<64x128xf32, #tpu.memory_space<vmem>>, vector<1x16xf32>,
        %get3A_167 = vector.shape_cast %get3A_166 : vector<1x16xf32> to vector<16xf32>
        %add3A_168 = arith.addf %get3A_167, %scan3A_63#5 : vector<16xf32>
        %swap3A_169 = arith.index_cast %squeeze3A : i32 to index
        %swap3A_170 = arith.constant 80 : index
        %swap3A_171 = tpu.vector_load %arg9[%swap3A_169, %swap3A_170] {strides = array<i32>} : memref<64x128xf32, #tpu.memory_space<vmem>>, vector<1x16xf32>,
        %swap3A_172 = vector.shape_cast %swap3A_171 : vector<1x16xf32> to vector<16xf32>
        %swap3A_173 = vector.shape_cast %add3A_168 : vector<16xf32> to vector<1x16xf32>
        tpu.vector_store %arg9[%swap3A_169, %swap3A_170], %swap3A_173 {strides = array<i32>} : memref<64x128xf32, #tpu.memory_space<vmem>>, vector<1x16xf32>,
        %get3A_174 = arith.index_cast %squeeze3A : i32 to index
        %get3A_175 = arith.constant 80 : index
        %get3A_176 = tpu.vector_load %arg10[%get3A_174, %get3A_175] {strides = array<i32>} : memref<64x128xf32, #tpu.memory_space<vmem>>, vector<1x16xf32>,
        %get3A_177 = vector.shape_cast %get3A_176 : vector<1x16xf32> to vector<16xf32>
        %add3A_178 = arith.addf %get3A_177, %scan3A_63#13 : vector<16xf32>
        %swap3A_179 = arith.index_cast %squeeze3A : i32 to index
        %swap3A_180 = arith.constant 80 : index
        %swap3A_181 = tpu.vector_load %arg10[%swap3A_179, %swap3A_180] {strides = array<i32>} : memref<64x128xf32, #tpu.memory_space<vmem>>, vector<1x16xf32>,
        %swap3A_182 = vector.shape_cast %swap3A_181 : vector<1x16xf32> to vector<16xf32>
        %swap3A_183 = vector.shape_cast %add3A_178 : vector<16xf32> to vector<1x16xf32>
        tpu.vector_store %arg10[%swap3A_179, %swap3A_180], %swap3A_183 {strides = array<i32>} : memref<64x128xf32, #tpu.memory_space<vmem>>, vector<1x16xf32>,
        %get3A_184 = arith.index_cast %squeeze3A : i32 to index
        %get3A_185 = arith.constant 96 : index
        %get3A_186 = tpu.vector_load %arg9[%get3A_184, %get3A_185] {strides = array<i32>} : memref<64x128xf32, #tpu.memory_space<vmem>>, vector<1x16xf32>,
        %get3A_187 = vector.shape_cast %get3A_186 : vector<1x16xf32> to vector<16xf32>
        %add3A_188 = arith.addf %get3A_187, %scan3A_63#6 : vector<16xf32>
        %swap3A_189 = arith.index_cast %squeeze3A : i32 to index
        %swap3A_190 = arith.constant 96 : index
        %swap3A_191 = tpu.vector_load %arg9[%swap3A_189, %swap3A_190] {strides = array<i32>} : memref<64x128xf32, #tpu.memory_space<vmem>>, vector<1x16xf32>,
        %swap3A_192 = vector.shape_cast %swap3A_191 : vector<1x16xf32> to vector<16xf32>
        %swap3A_193 = vector.shape_cast %add3A_188 : vector<16xf32> to vector<1x16xf32>
        tpu.vector_store %arg9[%swap3A_189, %swap3A_190], %swap3A_193 {strides = array<i32>} : memref<64x128xf32, #tpu.memory_space<vmem>>, vector<1x16xf32>,
        %get3A_194 = arith.index_cast %squeeze3A : i32 to index
        %get3A_195 = arith.constant 96 : index
        %get3A_196 = tpu.vector_load %arg10[%get3A_194, %get3A_195] {strides = array<i32>} : memref<64x128xf32, #tpu.memory_space<vmem>>, vector<1x16xf32>,
        %get3A_197 = vector.shape_cast %get3A_196 : vector<1x16xf32> to vector<16xf32>
        %add3A_198 = arith.addf %get3A_197, %scan3A_63#14 : vector<16xf32>
        %swap3A_199 = arith.index_cast %squeeze3A : i32 to index
        %swap3A_200 = arith.constant 96 : index
        %swap3A_201 = tpu.vector_load %arg10[%swap3A_199, %swap3A_200] {strides = array<i32>} : memref<64x128xf32, #tpu.memory_space<vmem>>, vector<1x16xf32>,
        %swap3A_202 = vector.shape_cast %swap3A_201 : vector<1x16xf32> to vector<16xf32>
        %swap3A_203 = vector.shape_cast %add3A_198 : vector<16xf32> to vector<1x16xf32>
        tpu.vector_store %arg10[%swap3A_199, %swap3A_200], %swap3A_203 {strides = array<i32>} : memref<64x128xf32, #tpu.memory_space<vmem>>, vector<1x16xf32>,
        %get3A_204 = arith.index_cast %squeeze3A : i32 to index
        %get3A_205 = arith.constant 112 : index
        %get3A_206 = tpu.vector_load %arg9[%get3A_204, %get3A_205] {strides = array<i32>} : memref<64x128xf32, #tpu.memory_space<vmem>>, vector<1x16xf32>,
        %get3A_207 = vector.shape_cast %get3A_206 : vector<1x16xf32> to vector<16xf32>
        %add3A_208 = arith.addf %get3A_207, %scan3A_63#7 : vector<16xf32>
        %swap3A_209 = arith.index_cast %squeeze3A : i32 to index
        %swap3A_210 = arith.constant 112 : index
        %swap3A_211 = tpu.vector_load %arg9[%swap3A_209, %swap3A_210] {strides = array<i32>} : memref<64x128xf32, #tpu.memory_space<vmem>>, vector<1x16xf32>,
        %swap3A_212 = vector.shape_cast %swap3A_211 : vector<1x16xf32> to vector<16xf32>
        %swap3A_213 = vector.shape_cast %add3A_208 : vector<16xf32> to vector<1x16xf32>
        tpu.vector_store %arg9[%swap3A_209, %swap3A_210], %swap3A_213 {strides = array<i32>} : memref<64x128xf32, #tpu.memory_space<vmem>>, vector<1x16xf32>,
        %get3A_214 = arith.index_cast %squeeze3A : i32 to index
        %get3A_215 = arith.constant 112 : index
        %get3A_216 = tpu.vector_load %arg10[%get3A_214, %get3A_215] {strides = array<i32>} : memref<64x128xf32, #tpu.memory_space<vmem>>, vector<1x16xf32>,
        %get3A_217 = vector.shape_cast %get3A_216 : vector<1x16xf32> to vector<16xf32>
        %add3A_218 = arith.addf %get3A_217, %scan3A_63#15 : vector<16xf32>
        %swap3A_219 = arith.index_cast %squeeze3A : i32 to index
        %swap3A_220 = arith.constant 112 : index
        %swap3A_221 = tpu.vector_load %arg10[%swap3A_219, %swap3A_220] {strides = array<i32>} : memref<64x128xf32, #tpu.memory_space<vmem>>, vector<1x16xf32>,
        %swap3A_222 = vector.shape_cast %swap3A_221 : vector<1x16xf32> to vector<16xf32>
        %swap3A_223 = vector.shape_cast %add3A_218 : vector<16xf32> to vector<1x16xf32>
        tpu.vector_store %arg10[%swap3A_219, %swap3A_220], %swap3A_223 {strides = array<i32>} : memref<64x128xf32, #tpu.memory_space<vmem>>, vector<1x16xf32>,
        %get3A_224 = arith.index_cast %squeeze3A : i32 to index
        %get3A_225 = arith.constant 0 : index
        %get3A_226 = tpu.vector_load %arg11[%get3A_224, %get3A_225] {strides = array<i32>} : memref<64x16xf32, #tpu.memory_space<vmem>>, vector<1x16xf32>,
        %get3A_227 = vector.shape_cast %get3A_226 : vector<1x16xf32> to vector<16xf32>
        %broadcast_in_dim3A_228 = arith.constant 8.000000e+01 : f32
        %broadcast_in_dim3A_229 = vector.broadcast %broadcast_in_dim3A_228 : f32 to vector<16xf32>
        %add3A_230 = arith.addf %get3A_227, %broadcast_in_dim3A_229 : vector<16xf32>
        %swap3A_231 = arith.index_cast %squeeze3A : i32 to index
        %swap3A_232 = arith.constant 0 : index
        %swap3A_233 = tpu.vector_load %arg11[%swap3A_231, %swap3A_232] {strides = array<i32>} : memref<64x16xf32, #tpu.memory_space<vmem>>, vector<1x16xf32>,
        %swap3A_234 = vector.shape_cast %swap3A_233 : vector<1x16xf32> to vector<16xf32>
        %swap3A_235 = vector.shape_cast %add3A_230 : vector<16xf32> to vector<1x16xf32>
        tpu.vector_store %arg11[%swap3A_231, %swap3A_232], %swap3A_235 {strides = array<i32>} : memref<64x16xf32, #tpu.memory_space<vmem>>, vector<1x16xf32>,
        %cond3A_236 = arith.constant 0 : i32
        scf.yield %cond3A_236 : i32
      } else {
        %scan3A_59 = arith.constant 0 : i32
        %scan3A_60 = arith.constant 0 : i32
        %scan3A_61 = arith.constant 80 : i32
        %scan3A_62 = arith.addi %scan3A_60, %scan3A_61 : i32
        %scan3A_63 = arith.constant 1 : i32
        %scan3A_64 = scf.for %scan3A_66 = %scan3A_60 to %scan3A_62 step %scan3A_63 iter_args(%scan3A_67 = %scan3A_59) -> (i32)  : i32 {
          %get3A_68 = arith.index_cast %scan3A_66 : i32 to index
          %get3A_69 = tpu.vector_load %arg8[%get3A_68] {strides = array<i32>} : memref<144xi32, #tpu.memory_space<vmem>>, vector<16xi32>,
          %get3A_70 = vector.shape_cast %get3A_69 : vector<16xi32> to vector<16xi32>
          %slice3A_71 = vector.extract_strided_slice %get3A_70 {offsets = [0], sizes = [1], strides = [1]} : vector<16xi32> to vector<1xi32>
          %squeeze3A_72 = vector.extract %slice3A_71[0] : i32 from vector<1xi32>
          %get3A_73 = arith.index_cast %scan3A_66 : i32 to index
          %get3A_74 = arith.constant 0 : index
          %get3A_75 = tpu.vector_load %arg7[%get3A_73, %get3A_74] {strides = array<i32>} : memref<80x128xf32, #tpu.memory_space<vmem>>, vector<1x16xf32>,
          %get3A_76 = vector.shape_cast %get3A_75 : vector<1x16xf32> to vector<16xf32>
          %get3A_77 = arith.index_cast %squeeze3A_72 : i32 to index
          %get3A_78 = arith.constant 0 : index
          %get3A_79 = tpu.vector_load %arg9[%get3A_77, %get3A_78] {strides = array<i32>} : memref<64x128xf32, #tpu.memory_space<vmem>>, vector<1x16xf32>,
          %get3A_80 = vector.shape_cast %get3A_79 : vector<1x16xf32> to vector<16xf32>
          %add3A_81 = arith.addf %get3A_80, %get3A_76 : vector<16xf32>
          %swap3A = arith.index_cast %squeeze3A_72 : i32 to index
          %swap3A_82 = arith.constant 0 : index
          %swap3A_83 = tpu.vector_load %arg9[%swap3A, %swap3A_82] {strides = array<i32>} : memref<64x128xf32, #tpu.memory_space<vmem>>, vector<1x16xf32>,
          %swap3A_84 = vector.shape_cast %swap3A_83 : vector<1x16xf32> to vector<16xf32>
          %swap3A_85 = vector.shape_cast %add3A_81 : vector<16xf32> to vector<1x16xf32>
          tpu.vector_store %arg9[%swap3A, %swap3A_82], %swap3A_85 {strides = array<i32>} : memref<64x128xf32, #tpu.memory_space<vmem>>, vector<1x16xf32>,
          %get3A_86 = arith.index_cast %squeeze3A_72 : i32 to index
          %get3A_87 = arith.constant 0 : index
          %get3A_88 = tpu.vector_load %arg10[%get3A_86, %get3A_87] {strides = array<i32>} : memref<64x128xf32, #tpu.memory_space<vmem>>, vector<1x16xf32>,
          %get3A_89 = vector.shape_cast %get3A_88 : vector<1x16xf32> to vector<16xf32>
          %mul3A_90 = arith.mulf %get3A_76, %get3A_76 : vector<16xf32>
          %add3A_91 = arith.addf %get3A_89, %mul3A_90 : vector<16xf32>
          %swap3A_92 = arith.index_cast %squeeze3A_72 : i32 to index
          %swap3A_93 = arith.constant 0 : index
          %swap3A_94 = tpu.vector_load %arg10[%swap3A_92, %swap3A_93] {strides = array<i32>} : memref<64x128xf32, #tpu.memory_space<vmem>>, vector<1x16xf32>,
          %swap3A_95 = vector.shape_cast %swap3A_94 : vector<1x16xf32> to vector<16xf32>
          %swap3A_96 = vector.shape_cast %add3A_91 : vector<16xf32> to vector<1x16xf32>
          tpu.vector_store %arg10[%swap3A_92, %swap3A_93], %swap3A_96 {strides = array<i32>} : memref<64x128xf32, #tpu.memory_space<vmem>>, vector<1x16xf32>,
          %get3A_97 = arith.index_cast %scan3A_66 : i32 to index
          %get3A_98 = arith.constant 16 : index
          %get3A_99 = tpu.vector_load %arg7[%get3A_97, %get3A_98] {strides = array<i32>} : memref<80x128xf32, #tpu.memory_space<vmem>>, vector<1x16xf32>,
          %get3A_100 = vector.shape_cast %get3A_99 : vector<1x16xf32> to vector<16xf32>
          %get3A_101 = arith.index_cast %squeeze3A_72 : i32 to index
          %get3A_102 = arith.constant 16 : index
          %get3A_103 = tpu.vector_load %arg9[%get3A_101, %get3A_102] {strides = array<i32>} : memref<64x128xf32, #tpu.memory_space<vmem>>, vector<1x16xf32>,
          %get3A_104 = vector.shape_cast %get3A_103 : vector<1x16xf32> to vector<16xf32>
          %add3A_105 = arith.addf %get3A_104, %get3A_100 : vector<16xf32>
          %swap3A_106 = arith.index_cast %squeeze3A_72 : i32 to index
          %swap3A_107 = arith.constant 16 : index
          %swap3A_108 = tpu.vector_load %arg9[%swap3A_106, %swap3A_107] {strides = array<i32>} : memref<64x128xf32, #tpu.memory_space<vmem>>, vector<1x16xf32>,
          %swap3A_109 = vector.shape_cast %swap3A_108 : vector<1x16xf32> to vector<16xf32>
          %swap3A_110 = vector.shape_cast %add3A_105 : vector<16xf32> to vector<1x16xf32>
          tpu.vector_store %arg9[%swap3A_106, %swap3A_107], %swap3A_110 {strides = array<i32>} : memref<64x128xf32, #tpu.memory_space<vmem>>, vector<1x16xf32>,
          %get3A_111 = arith.index_cast %squeeze3A_72 : i32 to index
          %get3A_112 = arith.constant 16 : index
          %get3A_113 = tpu.vector_load %arg10[%get3A_111, %get3A_112] {strides = array<i32>} : memref<64x128xf32, #tpu.memory_space<vmem>>, vector<1x16xf32>,
          %get3A_114 = vector.shape_cast %get3A_113 : vector<1x16xf32> to vector<16xf32>
          %mul3A_115 = arith.mulf %get3A_100, %get3A_100 : vector<16xf32>
          %add3A_116 = arith.addf %get3A_114, %mul3A_115 : vector<16xf32>
          %swap3A_117 = arith.index_cast %squeeze3A_72 : i32 to index
          %swap3A_118 = arith.constant 16 : index
          %swap3A_119 = tpu.vector_load %arg10[%swap3A_117, %swap3A_118] {strides = array<i32>} : memref<64x128xf32, #tpu.memory_space<vmem>>, vector<1x16xf32>,
          %swap3A_120 = vector.shape_cast %swap3A_119 : vector<1x16xf32> to vector<16xf32>
          %swap3A_121 = vector.shape_cast %add3A_116 : vector<16xf32> to vector<1x16xf32>
          tpu.vector_store %arg10[%swap3A_117, %swap3A_118], %swap3A_121 {strides = array<i32>} : memref<64x128xf32, #tpu.memory_space<vmem>>, vector<1x16xf32>,
          %get3A_122 = arith.index_cast %scan3A_66 : i32 to index
          %get3A_123 = arith.constant 32 : index
          %get3A_124 = tpu.vector_load %arg7[%get3A_122, %get3A_123] {strides = array<i32>} : memref<80x128xf32, #tpu.memory_space<vmem>>, vector<1x16xf32>,
          %get3A_125 = vector.shape_cast %get3A_124 : vector<1x16xf32> to vector<16xf32>
          %get3A_126 = arith.index_cast %squeeze3A_72 : i32 to index
          %get3A_127 = arith.constant 32 : index
          %get3A_128 = tpu.vector_load %arg9[%get3A_126, %get3A_127] {strides = array<i32>} : memref<64x128xf32, #tpu.memory_space<vmem>>, vector<1x16xf32>,
          %get3A_129 = vector.shape_cast %get3A_128 : vector<1x16xf32> to vector<16xf32>
          %add3A_130 = arith.addf %get3A_129, %get3A_125 : vector<16xf32>
          %swap3A_131 = arith.index_cast %squeeze3A_72 : i32 to index
          %swap3A_132 = arith.constant 32 : index
          %swap3A_133 = tpu.vector_load %arg9[%swap3A_131, %swap3A_132] {strides = array<i32>} : memref<64x128xf32, #tpu.memory_space<vmem>>, vector<1x16xf32>,
          %swap3A_134 = vector.shape_cast %swap3A_133 : vector<1x16xf32> to vector<16xf32>
          %swap3A_135 = vector.shape_cast %add3A_130 : vector<16xf32> to vector<1x16xf32>
          tpu.vector_store %arg9[%swap3A_131, %swap3A_132], %swap3A_135 {strides = array<i32>} : memref<64x128xf32, #tpu.memory_space<vmem>>, vector<1x16xf32>,
          %get3A_136 = arith.index_cast %squeeze3A_72 : i32 to index
          %get3A_137 = arith.constant 32 : index
          %get3A_138 = tpu.vector_load %arg10[%get3A_136, %get3A_137] {strides = array<i32>} : memref<64x128xf32, #tpu.memory_space<vmem>>, vector<1x16xf32>,
          %get3A_139 = vector.shape_cast %get3A_138 : vector<1x16xf32> to vector<16xf32>
          %mul3A_140 = arith.mulf %get3A_125, %get3A_125 : vector<16xf32>
          %add3A_141 = arith.addf %get3A_139, %mul3A_140 : vector<16xf32>
          %swap3A_142 = arith.index_cast %squeeze3A_72 : i32 to index
          %swap3A_143 = arith.constant 32 : index
          %swap3A_144 = tpu.vector_load %arg10[%swap3A_142, %swap3A_143] {strides = array<i32>} : memref<64x128xf32, #tpu.memory_space<vmem>>, vector<1x16xf32>,
          %swap3A_145 = vector.shape_cast %swap3A_144 : vector<1x16xf32> to vector<16xf32>
          %swap3A_146 = vector.shape_cast %add3A_141 : vector<16xf32> to vector<1x16xf32>
          tpu.vector_store %arg10[%swap3A_142, %swap3A_143], %swap3A_146 {strides = array<i32>} : memref<64x128xf32, #tpu.memory_space<vmem>>, vector<1x16xf32>,
          %get3A_147 = arith.index_cast %scan3A_66 : i32 to index
          %get3A_148 = arith.constant 48 : index
          %get3A_149 = tpu.vector_load %arg7[%get3A_147, %get3A_148] {strides = array<i32>} : memref<80x128xf32, #tpu.memory_space<vmem>>, vector<1x16xf32>,
          %get3A_150 = vector.shape_cast %get3A_149 : vector<1x16xf32> to vector<16xf32>
          %get3A_151 = arith.index_cast %squeeze3A_72 : i32 to index
          %get3A_152 = arith.constant 48 : index
          %get3A_153 = tpu.vector_load %arg9[%get3A_151, %get3A_152] {strides = array<i32>} : memref<64x128xf32, #tpu.memory_space<vmem>>, vector<1x16xf32>,
          %get3A_154 = vector.shape_cast %get3A_153 : vector<1x16xf32> to vector<16xf32>
          %add3A_155 = arith.addf %get3A_154, %get3A_150 : vector<16xf32>
          %swap3A_156 = arith.index_cast %squeeze3A_72 : i32 to index
          %swap3A_157 = arith.constant 48 : index
          %swap3A_158 = tpu.vector_load %arg9[%swap3A_156, %swap3A_157] {strides = array<i32>} : memref<64x128xf32, #tpu.memory_space<vmem>>, vector<1x16xf32>,
          %swap3A_159 = vector.shape_cast %swap3A_158 : vector<1x16xf32> to vector<16xf32>
          %swap3A_160 = vector.shape_cast %add3A_155 : vector<16xf32> to vector<1x16xf32>
          tpu.vector_store %arg9[%swap3A_156, %swap3A_157], %swap3A_160 {strides = array<i32>} : memref<64x128xf32, #tpu.memory_space<vmem>>, vector<1x16xf32>,
          %get3A_161 = arith.index_cast %squeeze3A_72 : i32 to index
          %get3A_162 = arith.constant 48 : index
          %get3A_163 = tpu.vector_load %arg10[%get3A_161, %get3A_162] {strides = array<i32>} : memref<64x128xf32, #tpu.memory_space<vmem>>, vector<1x16xf32>,
          %get3A_164 = vector.shape_cast %get3A_163 : vector<1x16xf32> to vector<16xf32>
          %mul3A_165 = arith.mulf %get3A_150, %get3A_150 : vector<16xf32>
          %add3A_166 = arith.addf %get3A_164, %mul3A_165 : vector<16xf32>
          %swap3A_167 = arith.index_cast %squeeze3A_72 : i32 to index
          %swap3A_168 = arith.constant 48 : index
          %swap3A_169 = tpu.vector_load %arg10[%swap3A_167, %swap3A_168] {strides = array<i32>} : memref<64x128xf32, #tpu.memory_space<vmem>>, vector<1x16xf32>,
          %swap3A_170 = vector.shape_cast %swap3A_169 : vector<1x16xf32> to vector<16xf32>
          %swap3A_171 = vector.shape_cast %add3A_166 : vector<16xf32> to vector<1x16xf32>
          tpu.vector_store %arg10[%swap3A_167, %swap3A_168], %swap3A_171 {strides = array<i32>} : memref<64x128xf32, #tpu.memory_space<vmem>>, vector<1x16xf32>,
          %get3A_172 = arith.index_cast %scan3A_66 : i32 to index
          %get3A_173 = arith.constant 64 : index
          %get3A_174 = tpu.vector_load %arg7[%get3A_172, %get3A_173] {strides = array<i32>} : memref<80x128xf32, #tpu.memory_space<vmem>>, vector<1x16xf32>,
          %get3A_175 = vector.shape_cast %get3A_174 : vector<1x16xf32> to vector<16xf32>
          %get3A_176 = arith.index_cast %squeeze3A_72 : i32 to index
          %get3A_177 = arith.constant 64 : index
          %get3A_178 = tpu.vector_load %arg9[%get3A_176, %get3A_177] {strides = array<i32>} : memref<64x128xf32, #tpu.memory_space<vmem>>, vector<1x16xf32>,
          %get3A_179 = vector.shape_cast %get3A_178 : vector<1x16xf32> to vector<16xf32>
          %add3A_180 = arith.addf %get3A_179, %get3A_175 : vector<16xf32>
          %swap3A_181 = arith.index_cast %squeeze3A_72 : i32 to index
          %swap3A_182 = arith.constant 64 : index
          %swap3A_183 = tpu.vector_load %arg9[%swap3A_181, %swap3A_182] {strides = array<i32>} : memref<64x128xf32, #tpu.memory_space<vmem>>, vector<1x16xf32>,
          %swap3A_184 = vector.shape_cast %swap3A_183 : vector<1x16xf32> to vector<16xf32>
          %swap3A_185 = vector.shape_cast %add3A_180 : vector<16xf32> to vector<1x16xf32>
          tpu.vector_store %arg9[%swap3A_181, %swap3A_182], %swap3A_185 {strides = array<i32>} : memref<64x128xf32, #tpu.memory_space<vmem>>, vector<1x16xf32>,
          %get3A_186 = arith.index_cast %squeeze3A_72 : i32 to index
          %get3A_187 = arith.constant 64 : index
          %get3A_188 = tpu.vector_load %arg10[%get3A_186, %get3A_187] {strides = array<i32>} : memref<64x128xf32, #tpu.memory_space<vmem>>, vector<1x16xf32>,
          %get3A_189 = vector.shape_cast %get3A_188 : vector<1x16xf32> to vector<16xf32>
          %mul3A_190 = arith.mulf %get3A_175, %get3A_175 : vector<16xf32>
          %add3A_191 = arith.addf %get3A_189, %mul3A_190 : vector<16xf32>
          %swap3A_192 = arith.index_cast %squeeze3A_72 : i32 to index
          %swap3A_193 = arith.constant 64 : index
          %swap3A_194 = tpu.vector_load %arg10[%swap3A_192, %swap3A_193] {strides = array<i32>} : memref<64x128xf32, #tpu.memory_space<vmem>>, vector<1x16xf32>,
          %swap3A_195 = vector.shape_cast %swap3A_194 : vector<1x16xf32> to vector<16xf32>
          %swap3A_196 = vector.shape_cast %add3A_191 : vector<16xf32> to vector<1x16xf32>
          tpu.vector_store %arg10[%swap3A_192, %swap3A_193], %swap3A_196 {strides = array<i32>} : memref<64x128xf32, #tpu.memory_space<vmem>>, vector<1x16xf32>,
          %get3A_197 = arith.index_cast %scan3A_66 : i32 to index
          %get3A_198 = arith.constant 80 : index
          %get3A_199 = tpu.vector_load %arg7[%get3A_197, %get3A_198] {strides = array<i32>} : memref<80x128xf32, #tpu.memory_space<vmem>>, vector<1x16xf32>,
          %get3A_200 = vector.shape_cast %get3A_199 : vector<1x16xf32> to vector<16xf32>
          %get3A_201 = arith.index_cast %squeeze3A_72 : i32 to index
          %get3A_202 = arith.constant 80 : index
          %get3A_203 = tpu.vector_load %arg9[%get3A_201, %get3A_202] {strides = array<i32>} : memref<64x128xf32, #tpu.memory_space<vmem>>, vector<1x16xf32>,
          %get3A_204 = vector.shape_cast %get3A_203 : vector<1x16xf32> to vector<16xf32>
          %add3A_205 = arith.addf %get3A_204, %get3A_200 : vector<16xf32>
          %swap3A_206 = arith.index_cast %squeeze3A_72 : i32 to index
          %swap3A_207 = arith.constant 80 : index
          %swap3A_208 = tpu.vector_load %arg9[%swap3A_206, %swap3A_207] {strides = array<i32>} : memref<64x128xf32, #tpu.memory_space<vmem>>, vector<1x16xf32>,
          %swap3A_209 = vector.shape_cast %swap3A_208 : vector<1x16xf32> to vector<16xf32>
          %swap3A_210 = vector.shape_cast %add3A_205 : vector<16xf32> to vector<1x16xf32>
          tpu.vector_store %arg9[%swap3A_206, %swap3A_207], %swap3A_210 {strides = array<i32>} : memref<64x128xf32, #tpu.memory_space<vmem>>, vector<1x16xf32>,
          %get3A_211 = arith.index_cast %squeeze3A_72 : i32 to index
          %get3A_212 = arith.constant 80 : index
          %get3A_213 = tpu.vector_load %arg10[%get3A_211, %get3A_212] {strides = array<i32>} : memref<64x128xf32, #tpu.memory_space<vmem>>, vector<1x16xf32>,
          %get3A_214 = vector.shape_cast %get3A_213 : vector<1x16xf32> to vector<16xf32>
          %mul3A_215 = arith.mulf %get3A_200, %get3A_200 : vector<16xf32>
          %add3A_216 = arith.addf %get3A_214, %mul3A_215 : vector<16xf32>
          %swap3A_217 = arith.index_cast %squeeze3A_72 : i32 to index
          %swap3A_218 = arith.constant 80 : index
          %swap3A_219 = tpu.vector_load %arg10[%swap3A_217, %swap3A_218] {strides = array<i32>} : memref<64x128xf32, #tpu.memory_space<vmem>>, vector<1x16xf32>,
          %swap3A_220 = vector.shape_cast %swap3A_219 : vector<1x16xf32> to vector<16xf32>
          %swap3A_221 = vector.shape_cast %add3A_216 : vector<16xf32> to vector<1x16xf32>
          tpu.vector_store %arg10[%swap3A_217, %swap3A_218], %swap3A_221 {strides = array<i32>} : memref<64x128xf32, #tpu.memory_space<vmem>>, vector<1x16xf32>,
          %get3A_222 = arith.index_cast %scan3A_66 : i32 to index
          %get3A_223 = arith.constant 96 : index
          %get3A_224 = tpu.vector_load %arg7[%get3A_222, %get3A_223] {strides = array<i32>} : memref<80x128xf32, #tpu.memory_space<vmem>>, vector<1x16xf32>,
          %get3A_225 = vector.shape_cast %get3A_224 : vector<1x16xf32> to vector<16xf32>
          %get3A_226 = arith.index_cast %squeeze3A_72 : i32 to index
          %get3A_227 = arith.constant 96 : index
          %get3A_228 = tpu.vector_load %arg9[%get3A_226, %get3A_227] {strides = array<i32>} : memref<64x128xf32, #tpu.memory_space<vmem>>, vector<1x16xf32>,
          %get3A_229 = vector.shape_cast %get3A_228 : vector<1x16xf32> to vector<16xf32>
          %add3A_230 = arith.addf %get3A_229, %get3A_225 : vector<16xf32>
          %swap3A_231 = arith.index_cast %squeeze3A_72 : i32 to index
          %swap3A_232 = arith.constant 96 : index
          %swap3A_233 = tpu.vector_load %arg9[%swap3A_231, %swap3A_232] {strides = array<i32>} : memref<64x128xf32, #tpu.memory_space<vmem>>, vector<1x16xf32>,
          %swap3A_234 = vector.shape_cast %swap3A_233 : vector<1x16xf32> to vector<16xf32>
          %swap3A_235 = vector.shape_cast %add3A_230 : vector<16xf32> to vector<1x16xf32>
          tpu.vector_store %arg9[%swap3A_231, %swap3A_232], %swap3A_235 {strides = array<i32>} : memref<64x128xf32, #tpu.memory_space<vmem>>, vector<1x16xf32>,
          %get3A_236 = arith.index_cast %squeeze3A_72 : i32 to index
          %get3A_237 = arith.constant 96 : index
          %get3A_238 = tpu.vector_load %arg10[%get3A_236, %get3A_237] {strides = array<i32>} : memref<64x128xf32, #tpu.memory_space<vmem>>, vector<1x16xf32>,
          %get3A_239 = vector.shape_cast %get3A_238 : vector<1x16xf32> to vector<16xf32>
          %mul3A_240 = arith.mulf %get3A_225, %get3A_225 : vector<16xf32>
          %add3A_241 = arith.addf %get3A_239, %mul3A_240 : vector<16xf32>
          %swap3A_242 = arith.index_cast %squeeze3A_72 : i32 to index
          %swap3A_243 = arith.constant 96 : index
          %swap3A_244 = tpu.vector_load %arg10[%swap3A_242, %swap3A_243] {strides = array<i32>} : memref<64x128xf32, #tpu.memory_space<vmem>>, vector<1x16xf32>,
          %swap3A_245 = vector.shape_cast %swap3A_244 : vector<1x16xf32> to vector<16xf32>
          %swap3A_246 = vector.shape_cast %add3A_241 : vector<16xf32> to vector<1x16xf32>
          tpu.vector_store %arg10[%swap3A_242, %swap3A_243], %swap3A_246 {strides = array<i32>} : memref<64x128xf32, #tpu.memory_space<vmem>>, vector<1x16xf32>,
          %get3A_247 = arith.index_cast %scan3A_66 : i32 to index
          %get3A_248 = arith.constant 112 : index
          %get3A_249 = tpu.vector_load %arg7[%get3A_247, %get3A_248] {strides = array<i32>} : memref<80x128xf32, #tpu.memory_space<vmem>>, vector<1x16xf32>,
          %get3A_250 = vector.shape_cast %get3A_249 : vector<1x16xf32> to vector<16xf32>
          %get3A_251 = arith.index_cast %squeeze3A_72 : i32 to index
          %get3A_252 = arith.constant 112 : index
          %get3A_253 = tpu.vector_load %arg9[%get3A_251, %get3A_252] {strides = array<i32>} : memref<64x128xf32, #tpu.memory_space<vmem>>, vector<1x16xf32>,
          %get3A_254 = vector.shape_cast %get3A_253 : vector<1x16xf32> to vector<16xf32>
          %add3A_255 = arith.addf %get3A_254, %get3A_250 : vector<16xf32>
          %swap3A_256 = arith.index_cast %squeeze3A_72 : i32 to index
          %swap3A_257 = arith.constant 112 : index
          %swap3A_258 = tpu.vector_load %arg9[%swap3A_256, %swap3A_257] {strides = array<i32>} : memref<64x128xf32, #tpu.memory_space<vmem>>, vector<1x16xf32>,
          %swap3A_259 = vector.shape_cast %swap3A_258 : vector<1x16xf32> to vector<16xf32>
          %swap3A_260 = vector.shape_cast %add3A_255 : vector<16xf32> to vector<1x16xf32>
          tpu.vector_store %arg9[%swap3A_256, %swap3A_257], %swap3A_260 {strides = array<i32>} : memref<64x128xf32, #tpu.memory_space<vmem>>, vector<1x16xf32>,
          %get3A_261 = arith.index_cast %squeeze3A_72 : i32 to index
          %get3A_262 = arith.constant 112 : index
          %get3A_263 = tpu.vector_load %arg10[%get3A_261, %get3A_262] {strides = array<i32>} : memref<64x128xf32, #tpu.memory_space<vmem>>, vector<1x16xf32>,
          %get3A_264 = vector.shape_cast %get3A_263 : vector<1x16xf32> to vector<16xf32>
          %mul3A_265 = arith.mulf %get3A_250, %get3A_250 : vector<16xf32>
          %add3A_266 = arith.addf %get3A_264, %mul3A_265 : vector<16xf32>
          %swap3A_267 = arith.index_cast %squeeze3A_72 : i32 to index
          %swap3A_268 = arith.constant 112 : index
          %swap3A_269 = tpu.vector_load %arg10[%swap3A_267, %swap3A_268] {strides = array<i32>} : memref<64x128xf32, #tpu.memory_space<vmem>>, vector<1x16xf32>,
          %swap3A_270 = vector.shape_cast %swap3A_269 : vector<1x16xf32> to vector<16xf32>
          %swap3A_271 = vector.shape_cast %add3A_266 : vector<16xf32> to vector<1x16xf32>
          tpu.vector_store %arg10[%swap3A_267, %swap3A_268], %swap3A_271 {strides = array<i32>} : memref<64x128xf32, #tpu.memory_space<vmem>>, vector<1x16xf32>,
          %get3A_272 = arith.index_cast %squeeze3A_72 : i32 to index
          %get3A_273 = arith.constant 0 : index
          %get3A_274 = tpu.vector_load %arg11[%get3A_272, %get3A_273] {strides = array<i32>} : memref<64x16xf32, #tpu.memory_space<vmem>>, vector<1x16xf32>,
          %get3A_275 = vector.shape_cast %get3A_274 : vector<1x16xf32> to vector<16xf32>
          %broadcast_in_dim3A_276 = arith.constant 1.000000e+00 : f32
          %broadcast_in_dim3A_277 = vector.broadcast %broadcast_in_dim3A_276 : f32 to vector<16xf32>
          %add3A_278 = arith.addf %get3A_275, %broadcast_in_dim3A_277 : vector<16xf32>
          %swap3A_279 = arith.index_cast %squeeze3A_72 : i32 to index
          %swap3A_280 = arith.constant 0 : index
          %swap3A_281 = tpu.vector_load %arg11[%swap3A_279, %swap3A_280] {strides = array<i32>} : memref<64x16xf32, #tpu.memory_space<vmem>>, vector<1x16xf32>,
          %swap3A_282 = vector.shape_cast %swap3A_281 : vector<1x16xf32> to vector<16xf32>
          %swap3A_283 = vector.shape_cast %add3A_278 : vector<16xf32> to vector<1x16xf32>
          tpu.vector_store %arg11[%swap3A_279, %swap3A_280], %swap3A_283 {strides = array<i32>} : memref<64x16xf32, #tpu.memory_space<vmem>>, vector<1x16xf32>,
          %scan3A_284 = arith.constant 0 : i32
          scf.yield %scan3A_284 : i32
        }
        %scan3A_65 = arith.constant 80 : i32
        scf.yield %scan3A_64 : i32
      }
      %while3A_58 = arith.constant 0 : i32
      scf.yield %while3A_58 : i32
    }
    %while3A_39 = arith.constant 1 : i32
    %while3A_40 = scf.for %while3A_41 = %while3A_36 to %while3A_32 step %while3A_39 iter_args(%while3A_42 = %while3A_38) -> (i32)  : i32 {
      %mul3A_43 = arith.constant 32 : i32
      %mul3A_44 = arith.muli %while3A_41, %mul3A_43 : i32
      %add3A_45 = arith.addi %add3A, %mul3A_44 : i32
      %mul3A_46 = arith.constant 80 : i32
      %mul3A_47 = arith.muli %add3A_45, %mul3A_46 : i32
      "tpu.region"() ({
        %run_scoped3A = tpu.sem_alloc : memref<!tpu.dma_semaphore, #tpu.memory_space<semaphore_mem>>
        %dma_start3A = arith.constant 0 : i32
        %dma_start3A_59 = tpu.memref_slice %arg2[%mul3A_47, %dma_start3A] : memref<100000x128xf32, #tpu.memory_space<hbm>> -> memref<80x128xf32, #tpu.memory_space<hbm>>
        %dma_start3A_60 = arith.constant 0 : i32
        %dma_start3A_61 = tpu.memref_slice %arg2[%mul3A_47, %dma_start3A_60] : memref<100000x128xf32, #tpu.memory_space<hbm>> -> memref<80x128xf32, #tpu.memory_space<hbm>>
        tpu.enqueue_dma source(%dma_start3A_61 : memref<80x128xf32, #tpu.memory_space<hbm>>) target(%arg7 : memref<80x128xf32, #tpu.memory_space<vmem>>) target_semaphore(%run_scoped3A : memref<!tpu.dma_semaphore, #tpu.memory_space<semaphore_mem>>)
        %dma_wait3A = arith.constant 0 : i32
        %dma_wait3A_62 = tpu.memref_slice %arg2[%mul3A_47, %dma_wait3A] : memref<100000x128xf32, #tpu.memory_space<hbm>> -> memref<80x128xf32, #tpu.memory_space<hbm>>
        %dma_wait3A_63 = arith.constant 0 : i32
        %dma_wait3A_64 = tpu.memref_slice %arg2[%mul3A_47, %dma_wait3A_63] : memref<100000x128xf32, #tpu.memory_space<hbm>> -> memref<80x128xf32, #tpu.memory_space<hbm>>
        tpu.wait_dma2 semaphore(%run_scoped3A : memref<!tpu.dma_semaphore, #tpu.memory_space<semaphore_mem>>) src(%dma_wait3A_64 : memref<80x128xf32, #tpu.memory_space<hbm>>) dst(%arg7 : memref<80x128xf32, #tpu.memory_space<vmem>>)
        tpu.yield
      }) : () -> ()
      "tpu.region"() ({
        %run_scoped3A = tpu.sem_alloc : memref<!tpu.dma_semaphore, #tpu.memory_space<semaphore_mem>>
        %dma_start3A = arith.constant 0 : i32
        %dma_start3A_59 = tpu.memref_slice %arg8[%dma_start3A] : memref<144xi32, #tpu.memory_space<vmem>> -> memref<128xi32, #tpu.memory_space<vmem>>
        %dma_start3A_60 = arith.constant 0 : i32
        %dma_start3A_61 = tpu.memref_slice %arg3[%add3A_45, %dma_start3A_60] : memref<1250x128xi32, #tpu.memory_space<hbm>> -> memref<1x128xi32, #tpu.memory_space<hbm>>
        %dma_start3A_62 = tpu.memref_squeeze %dma_start3A_61 : memref<1x128xi32, #tpu.memory_space<hbm>> -> memref<128xi32, #tpu.memory_space<hbm>>
        %dma_start3A_63 = arith.constant 0 : i32
        %dma_start3A_64 = tpu.memref_slice %arg8[%dma_start3A_63] : memref<144xi32, #tpu.memory_space<vmem>> -> memref<128xi32, #tpu.memory_space<vmem>>
        %dma_start3A_65 = arith.constant 0 : i32
        %dma_start3A_66 = tpu.memref_slice %arg3[%add3A_45, %dma_start3A_65] : memref<1250x128xi32, #tpu.memory_space<hbm>> -> memref<1x128xi32, #tpu.memory_space<hbm>>
        %dma_start3A_67 = tpu.memref_squeeze %dma_start3A_66 : memref<1x128xi32, #tpu.memory_space<hbm>> -> memref<128xi32, #tpu.memory_space<hbm>>
        tpu.enqueue_dma source(%dma_start3A_67 : memref<128xi32, #tpu.memory_space<hbm>>) target(%dma_start3A_64 : memref<128xi32, #tpu.memory_space<vmem>>) target_semaphore(%run_scoped3A : memref<!tpu.dma_semaphore, #tpu.memory_space<semaphore_mem>>)
        %dma_wait3A = arith.constant 0 : i32
        %dma_wait3A_68 = tpu.memref_slice %arg8[%dma_wait3A] : memref<144xi32, #tpu.memory_space<vmem>> -> memref<128xi32, #tpu.memory_space<vmem>>
        %dma_wait3A_69 = arith.constant 0 : i32
        %dma_wait3A_70 = tpu.memref_slice %arg3[%add3A_45, %dma_wait3A_69] : memref<1250x128xi32, #tpu.memory_space<hbm>> -> memref<1x128xi32, #tpu.memory_space<hbm>>
        %dma_wait3A_71 = tpu.memref_squeeze %dma_wait3A_70 : memref<1x128xi32, #tpu.memory_space<hbm>> -> memref<128xi32, #tpu.memory_space<hbm>>
        %dma_wait3A_72 = arith.constant 0 : i32
        %dma_wait3A_73 = tpu.memref_slice %arg8[%dma_wait3A_72] : memref<144xi32, #tpu.memory_space<vmem>> -> memref<128xi32, #tpu.memory_space<vmem>>
        %dma_wait3A_74 = arith.constant 0 : i32
        %dma_wait3A_75 = tpu.memref_slice %arg3[%add3A_45, %dma_wait3A_74] : memref<1250x128xi32, #tpu.memory_space<hbm>> -> memref<1x128xi32, #tpu.memory_space<hbm>>
        %dma_wait3A_76 = tpu.memref_squeeze %dma_wait3A_75 : memref<1x128xi32, #tpu.memory_space<hbm>> -> memref<128xi32, #tpu.memory_space<hbm>>
        tpu.wait_dma2 semaphore(%run_scoped3A : memref<!tpu.dma_semaphore, #tpu.memory_space<semaphore_mem>>) src(%dma_wait3A_76 : memref<128xi32, #tpu.memory_space<hbm>>) dst(%dma_wait3A_73 : memref<128xi32, #tpu.memory_space<vmem>>)
        tpu.yield
      }) : () -> ()
      %get3A = arith.constant 0 : index
      %get3A_48 = tpu.vector_load %arg8[%get3A] {strides = array<i32>} : memref<144xi32, #tpu.memory_space<vmem>>, vector<16xi32>,
      %get3A_49 = vector.shape_cast %get3A_48 : vector<16xi32> to vector<16xi32>
      %slice3A = vector.extract_strided_slice %get3A_49 {offsets = [0], sizes = [1], strides = [1]} : vector<16xi32> to vector<1xi32>
      %squeeze3A = vector.extract %slice3A[0] : i32 from vector<1xi32>
      %get3A_50 = arith.constant 64 : index
      %get3A_51 = tpu.vector_load %arg8[%get3A_50] {strides = array<i32>} : memref<144xi32, #tpu.memory_space<vmem>>, vector<16xi32>,
      %get3A_52 = vector.shape_cast %get3A_51 : vector<16xi32> to vector<16xi32>
      %slice3A_53 = vector.extract_strided_slice %get3A_52 {offsets = [15], sizes = [1], strides = [1]} : vector<16xi32> to vector<1xi32>
      %squeeze3A_54 = vector.extract %slice3A_53[0] : i32 from vector<1xi32>
      %eq3A = arith.cmpi eq, %squeeze3A, %squeeze3A_54 : i32
      %convert_element_type3A = arith.extui %eq3A : i1 to i32
      %cond3A = arith.constant 0 : i32
      %cond3A_55 = arith.constant 0 : i32
      %cond3A_56 = arith.cmpi ne, %convert_element_type3A, %cond3A_55 : i32
      %cond3A_57 = scf.if %cond3A_56 -> (i32) {
        %scan3A_59 = arith.constant 0 : i32
        %scan3A_60 = arith.constant 80 : i32
        %scan3A_61 = arith.addi %scan3A_59, %scan3A_60 : i32
        %scan3A_62 = arith.constant 1 : i32
        %scan3A_63:16 = scf.for %scan3A_237 = %scan3A_59 to %scan3A_61 step %scan3A_62 iter_args(%scan3A_238 = %broadcast_in_dim3A_1, %scan3A_239 = %broadcast_in_dim3A_1, %scan3A_240 = %broadcast_in_dim3A_1, %scan3A_241 = %broadcast_in_dim3A_1, %scan3A_242 = %broadcast_in_dim3A_1, %scan3A_243 = %broadcast_in_dim3A_1, %scan3A_244 = %broadcast_in_dim3A_1, %scan3A_245 = %broadcast_in_dim3A_1, %scan3A_246 = %broadcast_in_dim3A_1, %scan3A_247 = %broadcast_in_dim3A_1, %scan3A_248 = %broadcast_in_dim3A_1, %scan3A_249 = %broadcast_in_dim3A_1, %scan3A_250 = %broadcast_in_dim3A_1, %scan3A_251 = %broadcast_in_dim3A_1, %scan3A_252 = %broadcast_in_dim3A_1, %scan3A_253 = %broadcast_in_dim3A_1) -> (vector<16xf32>, vector<16xf32>, vector<16xf32>, vector<16xf32>, vector<16xf32>, vector<16xf32>, vector<16xf32>, vector<16xf32>, vector<16xf32>, vector<16xf32>, vector<16xf32>, vector<16xf32>, vector<16xf32>, vector<16xf32>, vector<16xf32>, vector<16xf32>)  : i32 {
          %get3A_254 = arith.index_cast %scan3A_237 : i32 to index
          %get3A_255 = arith.constant 0 : index
          %get3A_256 = tpu.vector_load %arg7[%get3A_254, %get3A_255] {strides = array<i32>} : memref<80x128xf32, #tpu.memory_space<vmem>>, vector<1x16xf32>,
          %get3A_257 = vector.shape_cast %get3A_256 : vector<1x16xf32> to vector<16xf32>
          %add3A_258 = arith.addf %scan3A_238, %get3A_257 : vector<16xf32>
          %mul3A_259 = arith.mulf %get3A_257, %get3A_257 : vector<16xf32>
          %add3A_260 = arith.addf %scan3A_246, %mul3A_259 : vector<16xf32>
          %get3A_261 = arith.index_cast %scan3A_237 : i32 to index
          %get3A_262 = arith.constant 16 : index
          %get3A_263 = tpu.vector_load %arg7[%get3A_261, %get3A_262] {strides = array<i32>} : memref<80x128xf32, #tpu.memory_space<vmem>>, vector<1x16xf32>,
          %get3A_264 = vector.shape_cast %get3A_263 : vector<1x16xf32> to vector<16xf32>
          %add3A_265 = arith.addf %scan3A_239, %get3A_264 : vector<16xf32>
          %mul3A_266 = arith.mulf %get3A_264, %get3A_264 : vector<16xf32>
          %add3A_267 = arith.addf %scan3A_247, %mul3A_266 : vector<16xf32>
          %get3A_268 = arith.index_cast %scan3A_237 : i32 to index
          %get3A_269 = arith.constant 32 : index
          %get3A_270 = tpu.vector_load %arg7[%get3A_268, %get3A_269] {strides = array<i32>} : memref<80x128xf32, #tpu.memory_space<vmem>>, vector<1x16xf32>,
          %get3A_271 = vector.shape_cast %get3A_270 : vector<1x16xf32> to vector<16xf32>
          %add3A_272 = arith.addf %scan3A_240, %get3A_271 : vector<16xf32>
          %mul3A_273 = arith.mulf %get3A_271, %get3A_271 : vector<16xf32>
          %add3A_274 = arith.addf %scan3A_248, %mul3A_273 : vector<16xf32>
          %get3A_275 = arith.index_cast %scan3A_237 : i32 to index
          %get3A_276 = arith.constant 48 : index
          %get3A_277 = tpu.vector_load %arg7[%get3A_275, %get3A_276] {strides = array<i32>} : memref<80x128xf32, #tpu.memory_space<vmem>>, vector<1x16xf32>,
          %get3A_278 = vector.shape_cast %get3A_277 : vector<1x16xf32> to vector<16xf32>
          %add3A_279 = arith.addf %scan3A_241, %get3A_278 : vector<16xf32>
          %mul3A_280 = arith.mulf %get3A_278, %get3A_278 : vector<16xf32>
          %add3A_281 = arith.addf %scan3A_249, %mul3A_280 : vector<16xf32>
          %get3A_282 = arith.index_cast %scan3A_237 : i32 to index
          %get3A_283 = arith.constant 64 : index
          %get3A_284 = tpu.vector_load %arg7[%get3A_282, %get3A_283] {strides = array<i32>} : memref<80x128xf32, #tpu.memory_space<vmem>>, vector<1x16xf32>,
          %get3A_285 = vector.shape_cast %get3A_284 : vector<1x16xf32> to vector<16xf32>
          %add3A_286 = arith.addf %scan3A_242, %get3A_285 : vector<16xf32>
          %mul3A_287 = arith.mulf %get3A_285, %get3A_285 : vector<16xf32>
          %add3A_288 = arith.addf %scan3A_250, %mul3A_287 : vector<16xf32>
          %get3A_289 = arith.index_cast %scan3A_237 : i32 to index
          %get3A_290 = arith.constant 80 : index
          %get3A_291 = tpu.vector_load %arg7[%get3A_289, %get3A_290] {strides = array<i32>} : memref<80x128xf32, #tpu.memory_space<vmem>>, vector<1x16xf32>,
          %get3A_292 = vector.shape_cast %get3A_291 : vector<1x16xf32> to vector<16xf32>
          %add3A_293 = arith.addf %scan3A_243, %get3A_292 : vector<16xf32>
          %mul3A_294 = arith.mulf %get3A_292, %get3A_292 : vector<16xf32>
          %add3A_295 = arith.addf %scan3A_251, %mul3A_294 : vector<16xf32>
          %get3A_296 = arith.index_cast %scan3A_237 : i32 to index
          %get3A_297 = arith.constant 96 : index
          %get3A_298 = tpu.vector_load %arg7[%get3A_296, %get3A_297] {strides = array<i32>} : memref<80x128xf32, #tpu.memory_space<vmem>>, vector<1x16xf32>,
          %get3A_299 = vector.shape_cast %get3A_298 : vector<1x16xf32> to vector<16xf32>
          %add3A_300 = arith.addf %scan3A_244, %get3A_299 : vector<16xf32>
          %mul3A_301 = arith.mulf %get3A_299, %get3A_299 : vector<16xf32>
          %add3A_302 = arith.addf %scan3A_252, %mul3A_301 : vector<16xf32>
          %get3A_303 = arith.index_cast %scan3A_237 : i32 to index
          %get3A_304 = arith.constant 112 : index
          %get3A_305 = tpu.vector_load %arg7[%get3A_303, %get3A_304] {strides = array<i32>} : memref<80x128xf32, #tpu.memory_space<vmem>>, vector<1x16xf32>,
          %get3A_306 = vector.shape_cast %get3A_305 : vector<1x16xf32> to vector<16xf32>
          %add3A_307 = arith.addf %scan3A_245, %get3A_306 : vector<16xf32>
          %mul3A_308 = arith.mulf %get3A_306, %get3A_306 : vector<16xf32>
          %add3A_309 = arith.addf %scan3A_253, %mul3A_308 : vector<16xf32>
          scf.yield %add3A_258, %add3A_265, %add3A_272, %add3A_279, %add3A_286, %add3A_293, %add3A_300, %add3A_307, %add3A_260, %add3A_267, %add3A_274, %add3A_281, %add3A_288, %add3A_295, %add3A_302, %add3A_309 : vector<16xf32>, vector<16xf32>, vector<16xf32>, vector<16xf32>, vector<16xf32>, vector<16xf32>, vector<16xf32>, vector<16xf32>, vector<16xf32>, vector<16xf32>, vector<16xf32>, vector<16xf32>, vector<16xf32>, vector<16xf32>, vector<16xf32>, vector<16xf32>
        }
        %scan3A_64 = arith.constant 80 : i32
        %get3A_65 = arith.index_cast %squeeze3A : i32 to index
        %get3A_66 = arith.constant 0 : index
        %get3A_67 = tpu.vector_load %arg9[%get3A_65, %get3A_66] {strides = array<i32>} : memref<64x128xf32, #tpu.memory_space<vmem>>, vector<1x16xf32>,
        %get3A_68 = vector.shape_cast %get3A_67 : vector<1x16xf32> to vector<16xf32>
        %add3A_69 = arith.addf %get3A_68, %scan3A_63#0 : vector<16xf32>
        %swap3A = arith.index_cast %squeeze3A : i32 to index
        %swap3A_70 = arith.constant 0 : index
        %swap3A_71 = tpu.vector_load %arg9[%swap3A, %swap3A_70] {strides = array<i32>} : memref<64x128xf32, #tpu.memory_space<vmem>>, vector<1x16xf32>,
        %swap3A_72 = vector.shape_cast %swap3A_71 : vector<1x16xf32> to vector<16xf32>
        %swap3A_73 = vector.shape_cast %add3A_69 : vector<16xf32> to vector<1x16xf32>
        tpu.vector_store %arg9[%swap3A, %swap3A_70], %swap3A_73 {strides = array<i32>} : memref<64x128xf32, #tpu.memory_space<vmem>>, vector<1x16xf32>,
        %get3A_74 = arith.index_cast %squeeze3A : i32 to index
        %get3A_75 = arith.constant 0 : index
        %get3A_76 = tpu.vector_load %arg10[%get3A_74, %get3A_75] {strides = array<i32>} : memref<64x128xf32, #tpu.memory_space<vmem>>, vector<1x16xf32>,
        %get3A_77 = vector.shape_cast %get3A_76 : vector<1x16xf32> to vector<16xf32>
        %add3A_78 = arith.addf %get3A_77, %scan3A_63#8 : vector<16xf32>
        %swap3A_79 = arith.index_cast %squeeze3A : i32 to index
        %swap3A_80 = arith.constant 0 : index
        %swap3A_81 = tpu.vector_load %arg10[%swap3A_79, %swap3A_80] {strides = array<i32>} : memref<64x128xf32, #tpu.memory_space<vmem>>, vector<1x16xf32>,
        %swap3A_82 = vector.shape_cast %swap3A_81 : vector<1x16xf32> to vector<16xf32>
        %swap3A_83 = vector.shape_cast %add3A_78 : vector<16xf32> to vector<1x16xf32>
        tpu.vector_store %arg10[%swap3A_79, %swap3A_80], %swap3A_83 {strides = array<i32>} : memref<64x128xf32, #tpu.memory_space<vmem>>, vector<1x16xf32>,
        %get3A_84 = arith.index_cast %squeeze3A : i32 to index
        %get3A_85 = arith.constant 16 : index
        %get3A_86 = tpu.vector_load %arg9[%get3A_84, %get3A_85] {strides = array<i32>} : memref<64x128xf32, #tpu.memory_space<vmem>>, vector<1x16xf32>,
        %get3A_87 = vector.shape_cast %get3A_86 : vector<1x16xf32> to vector<16xf32>
        %add3A_88 = arith.addf %get3A_87, %scan3A_63#1 : vector<16xf32>
        %swap3A_89 = arith.index_cast %squeeze3A : i32 to index
        %swap3A_90 = arith.constant 16 : index
        %swap3A_91 = tpu.vector_load %arg9[%swap3A_89, %swap3A_90] {strides = array<i32>} : memref<64x128xf32, #tpu.memory_space<vmem>>, vector<1x16xf32>,
        %swap3A_92 = vector.shape_cast %swap3A_91 : vector<1x16xf32> to vector<16xf32>
        %swap3A_93 = vector.shape_cast %add3A_88 : vector<16xf32> to vector<1x16xf32>
        tpu.vector_store %arg9[%swap3A_89, %swap3A_90], %swap3A_93 {strides = array<i32>} : memref<64x128xf32, #tpu.memory_space<vmem>>, vector<1x16xf32>,
        %get3A_94 = arith.index_cast %squeeze3A : i32 to index
        %get3A_95 = arith.constant 16 : index
        %get3A_96 = tpu.vector_load %arg10[%get3A_94, %get3A_95] {strides = array<i32>} : memref<64x128xf32, #tpu.memory_space<vmem>>, vector<1x16xf32>,
        %get3A_97 = vector.shape_cast %get3A_96 : vector<1x16xf32> to vector<16xf32>
        %add3A_98 = arith.addf %get3A_97, %scan3A_63#9 : vector<16xf32>
        %swap3A_99 = arith.index_cast %squeeze3A : i32 to index
        %swap3A_100 = arith.constant 16 : index
        %swap3A_101 = tpu.vector_load %arg10[%swap3A_99, %swap3A_100] {strides = array<i32>} : memref<64x128xf32, #tpu.memory_space<vmem>>, vector<1x16xf32>,
        %swap3A_102 = vector.shape_cast %swap3A_101 : vector<1x16xf32> to vector<16xf32>
        %swap3A_103 = vector.shape_cast %add3A_98 : vector<16xf32> to vector<1x16xf32>
        tpu.vector_store %arg10[%swap3A_99, %swap3A_100], %swap3A_103 {strides = array<i32>} : memref<64x128xf32, #tpu.memory_space<vmem>>, vector<1x16xf32>,
        %get3A_104 = arith.index_cast %squeeze3A : i32 to index
        %get3A_105 = arith.constant 32 : index
        %get3A_106 = tpu.vector_load %arg9[%get3A_104, %get3A_105] {strides = array<i32>} : memref<64x128xf32, #tpu.memory_space<vmem>>, vector<1x16xf32>,
        %get3A_107 = vector.shape_cast %get3A_106 : vector<1x16xf32> to vector<16xf32>
        %add3A_108 = arith.addf %get3A_107, %scan3A_63#2 : vector<16xf32>
        %swap3A_109 = arith.index_cast %squeeze3A : i32 to index
        %swap3A_110 = arith.constant 32 : index
        %swap3A_111 = tpu.vector_load %arg9[%swap3A_109, %swap3A_110] {strides = array<i32>} : memref<64x128xf32, #tpu.memory_space<vmem>>, vector<1x16xf32>,
        %swap3A_112 = vector.shape_cast %swap3A_111 : vector<1x16xf32> to vector<16xf32>
        %swap3A_113 = vector.shape_cast %add3A_108 : vector<16xf32> to vector<1x16xf32>
        tpu.vector_store %arg9[%swap3A_109, %swap3A_110], %swap3A_113 {strides = array<i32>} : memref<64x128xf32, #tpu.memory_space<vmem>>, vector<1x16xf32>,
        %get3A_114 = arith.index_cast %squeeze3A : i32 to index
        %get3A_115 = arith.constant 32 : index
        %get3A_116 = tpu.vector_load %arg10[%get3A_114, %get3A_115] {strides = array<i32>} : memref<64x128xf32, #tpu.memory_space<vmem>>, vector<1x16xf32>,
        %get3A_117 = vector.shape_cast %get3A_116 : vector<1x16xf32> to vector<16xf32>
        %add3A_118 = arith.addf %get3A_117, %scan3A_63#10 : vector<16xf32>
        %swap3A_119 = arith.index_cast %squeeze3A : i32 to index
        %swap3A_120 = arith.constant 32 : index
        %swap3A_121 = tpu.vector_load %arg10[%swap3A_119, %swap3A_120] {strides = array<i32>} : memref<64x128xf32, #tpu.memory_space<vmem>>, vector<1x16xf32>,
        %swap3A_122 = vector.shape_cast %swap3A_121 : vector<1x16xf32> to vector<16xf32>
        %swap3A_123 = vector.shape_cast %add3A_118 : vector<16xf32> to vector<1x16xf32>
        tpu.vector_store %arg10[%swap3A_119, %swap3A_120], %swap3A_123 {strides = array<i32>} : memref<64x128xf32, #tpu.memory_space<vmem>>, vector<1x16xf32>,
        %get3A_124 = arith.index_cast %squeeze3A : i32 to index
        %get3A_125 = arith.constant 48 : index
        %get3A_126 = tpu.vector_load %arg9[%get3A_124, %get3A_125] {strides = array<i32>} : memref<64x128xf32, #tpu.memory_space<vmem>>, vector<1x16xf32>,
        %get3A_127 = vector.shape_cast %get3A_126 : vector<1x16xf32> to vector<16xf32>
        %add3A_128 = arith.addf %get3A_127, %scan3A_63#3 : vector<16xf32>
        %swap3A_129 = arith.index_cast %squeeze3A : i32 to index
        %swap3A_130 = arith.constant 48 : index
        %swap3A_131 = tpu.vector_load %arg9[%swap3A_129, %swap3A_130] {strides = array<i32>} : memref<64x128xf32, #tpu.memory_space<vmem>>, vector<1x16xf32>,
        %swap3A_132 = vector.shape_cast %swap3A_131 : vector<1x16xf32> to vector<16xf32>
        %swap3A_133 = vector.shape_cast %add3A_128 : vector<16xf32> to vector<1x16xf32>
        tpu.vector_store %arg9[%swap3A_129, %swap3A_130], %swap3A_133 {strides = array<i32>} : memref<64x128xf32, #tpu.memory_space<vmem>>, vector<1x16xf32>,
        %get3A_134 = arith.index_cast %squeeze3A : i32 to index
        %get3A_135 = arith.constant 48 : index
        %get3A_136 = tpu.vector_load %arg10[%get3A_134, %get3A_135] {strides = array<i32>} : memref<64x128xf32, #tpu.memory_space<vmem>>, vector<1x16xf32>,
        %get3A_137 = vector.shape_cast %get3A_136 : vector<1x16xf32> to vector<16xf32>
        %add3A_138 = arith.addf %get3A_137, %scan3A_63#11 : vector<16xf32>
        %swap3A_139 = arith.index_cast %squeeze3A : i32 to index
        %swap3A_140 = arith.constant 48 : index
        %swap3A_141 = tpu.vector_load %arg10[%swap3A_139, %swap3A_140] {strides = array<i32>} : memref<64x128xf32, #tpu.memory_space<vmem>>, vector<1x16xf32>,
        %swap3A_142 = vector.shape_cast %swap3A_141 : vector<1x16xf32> to vector<16xf32>
        %swap3A_143 = vector.shape_cast %add3A_138 : vector<16xf32> to vector<1x16xf32>
        tpu.vector_store %arg10[%swap3A_139, %swap3A_140], %swap3A_143 {strides = array<i32>} : memref<64x128xf32, #tpu.memory_space<vmem>>, vector<1x16xf32>,
        %get3A_144 = arith.index_cast %squeeze3A : i32 to index
        %get3A_145 = arith.constant 64 : index
        %get3A_146 = tpu.vector_load %arg9[%get3A_144, %get3A_145] {strides = array<i32>} : memref<64x128xf32, #tpu.memory_space<vmem>>, vector<1x16xf32>,
        %get3A_147 = vector.shape_cast %get3A_146 : vector<1x16xf32> to vector<16xf32>
        %add3A_148 = arith.addf %get3A_147, %scan3A_63#4 : vector<16xf32>
        %swap3A_149 = arith.index_cast %squeeze3A : i32 to index
        %swap3A_150 = arith.constant 64 : index
        %swap3A_151 = tpu.vector_load %arg9[%swap3A_149, %swap3A_150] {strides = array<i32>} : memref<64x128xf32, #tpu.memory_space<vmem>>, vector<1x16xf32>,
        %swap3A_152 = vector.shape_cast %swap3A_151 : vector<1x16xf32> to vector<16xf32>
        %swap3A_153 = vector.shape_cast %add3A_148 : vector<16xf32> to vector<1x16xf32>
        tpu.vector_store %arg9[%swap3A_149, %swap3A_150], %swap3A_153 {strides = array<i32>} : memref<64x128xf32, #tpu.memory_space<vmem>>, vector<1x16xf32>,
        %get3A_154 = arith.index_cast %squeeze3A : i32 to index
        %get3A_155 = arith.constant 64 : index
        %get3A_156 = tpu.vector_load %arg10[%get3A_154, %get3A_155] {strides = array<i32>} : memref<64x128xf32, #tpu.memory_space<vmem>>, vector<1x16xf32>,
        %get3A_157 = vector.shape_cast %get3A_156 : vector<1x16xf32> to vector<16xf32>
        %add3A_158 = arith.addf %get3A_157, %scan3A_63#12 : vector<16xf32>
        %swap3A_159 = arith.index_cast %squeeze3A : i32 to index
        %swap3A_160 = arith.constant 64 : index
        %swap3A_161 = tpu.vector_load %arg10[%swap3A_159, %swap3A_160] {strides = array<i32>} : memref<64x128xf32, #tpu.memory_space<vmem>>, vector<1x16xf32>,
        %swap3A_162 = vector.shape_cast %swap3A_161 : vector<1x16xf32> to vector<16xf32>
        %swap3A_163 = vector.shape_cast %add3A_158 : vector<16xf32> to vector<1x16xf32>
        tpu.vector_store %arg10[%swap3A_159, %swap3A_160], %swap3A_163 {strides = array<i32>} : memref<64x128xf32, #tpu.memory_space<vmem>>, vector<1x16xf32>,
        %get3A_164 = arith.index_cast %squeeze3A : i32 to index
        %get3A_165 = arith.constant 80 : index
        %get3A_166 = tpu.vector_load %arg9[%get3A_164, %get3A_165] {strides = array<i32>} : memref<64x128xf32, #tpu.memory_space<vmem>>, vector<1x16xf32>,
        %get3A_167 = vector.shape_cast %get3A_166 : vector<1x16xf32> to vector<16xf32>
        %add3A_168 = arith.addf %get3A_167, %scan3A_63#5 : vector<16xf32>
        %swap3A_169 = arith.index_cast %squeeze3A : i32 to index
        %swap3A_170 = arith.constant 80 : index
        %swap3A_171 = tpu.vector_load %arg9[%swap3A_169, %swap3A_170] {strides = array<i32>} : memref<64x128xf32, #tpu.memory_space<vmem>>, vector<1x16xf32>,
        %swap3A_172 = vector.shape_cast %swap3A_171 : vector<1x16xf32> to vector<16xf32>
        %swap3A_173 = vector.shape_cast %add3A_168 : vector<16xf32> to vector<1x16xf32>
        tpu.vector_store %arg9[%swap3A_169, %swap3A_170], %swap3A_173 {strides = array<i32>} : memref<64x128xf32, #tpu.memory_space<vmem>>, vector<1x16xf32>,
        %get3A_174 = arith.index_cast %squeeze3A : i32 to index
        %get3A_175 = arith.constant 80 : index
        %get3A_176 = tpu.vector_load %arg10[%get3A_174, %get3A_175] {strides = array<i32>} : memref<64x128xf32, #tpu.memory_space<vmem>>, vector<1x16xf32>,
        %get3A_177 = vector.shape_cast %get3A_176 : vector<1x16xf32> to vector<16xf32>
        %add3A_178 = arith.addf %get3A_177, %scan3A_63#13 : vector<16xf32>
        %swap3A_179 = arith.index_cast %squeeze3A : i32 to index
        %swap3A_180 = arith.constant 80 : index
        %swap3A_181 = tpu.vector_load %arg10[%swap3A_179, %swap3A_180] {strides = array<i32>} : memref<64x128xf32, #tpu.memory_space<vmem>>, vector<1x16xf32>,
        %swap3A_182 = vector.shape_cast %swap3A_181 : vector<1x16xf32> to vector<16xf32>
        %swap3A_183 = vector.shape_cast %add3A_178 : vector<16xf32> to vector<1x16xf32>
        tpu.vector_store %arg10[%swap3A_179, %swap3A_180], %swap3A_183 {strides = array<i32>} : memref<64x128xf32, #tpu.memory_space<vmem>>, vector<1x16xf32>,
        %get3A_184 = arith.index_cast %squeeze3A : i32 to index
        %get3A_185 = arith.constant 96 : index
        %get3A_186 = tpu.vector_load %arg9[%get3A_184, %get3A_185] {strides = array<i32>} : memref<64x128xf32, #tpu.memory_space<vmem>>, vector<1x16xf32>,
        %get3A_187 = vector.shape_cast %get3A_186 : vector<1x16xf32> to vector<16xf32>
        %add3A_188 = arith.addf %get3A_187, %scan3A_63#6 : vector<16xf32>
        %swap3A_189 = arith.index_cast %squeeze3A : i32 to index
        %swap3A_190 = arith.constant 96 : index
        %swap3A_191 = tpu.vector_load %arg9[%swap3A_189, %swap3A_190] {strides = array<i32>} : memref<64x128xf32, #tpu.memory_space<vmem>>, vector<1x16xf32>,
        %swap3A_192 = vector.shape_cast %swap3A_191 : vector<1x16xf32> to vector<16xf32>
        %swap3A_193 = vector.shape_cast %add3A_188 : vector<16xf32> to vector<1x16xf32>
        tpu.vector_store %arg9[%swap3A_189, %swap3A_190], %swap3A_193 {strides = array<i32>} : memref<64x128xf32, #tpu.memory_space<vmem>>, vector<1x16xf32>,
        %get3A_194 = arith.index_cast %squeeze3A : i32 to index
        %get3A_195 = arith.constant 96 : index
        %get3A_196 = tpu.vector_load %arg10[%get3A_194, %get3A_195] {strides = array<i32>} : memref<64x128xf32, #tpu.memory_space<vmem>>, vector<1x16xf32>,
        %get3A_197 = vector.shape_cast %get3A_196 : vector<1x16xf32> to vector<16xf32>
        %add3A_198 = arith.addf %get3A_197, %scan3A_63#14 : vector<16xf32>
        %swap3A_199 = arith.index_cast %squeeze3A : i32 to index
        %swap3A_200 = arith.constant 96 : index
        %swap3A_201 = tpu.vector_load %arg10[%swap3A_199, %swap3A_200] {strides = array<i32>} : memref<64x128xf32, #tpu.memory_space<vmem>>, vector<1x16xf32>,
        %swap3A_202 = vector.shape_cast %swap3A_201 : vector<1x16xf32> to vector<16xf32>
        %swap3A_203 = vector.shape_cast %add3A_198 : vector<16xf32> to vector<1x16xf32>
        tpu.vector_store %arg10[%swap3A_199, %swap3A_200], %swap3A_203 {strides = array<i32>} : memref<64x128xf32, #tpu.memory_space<vmem>>, vector<1x16xf32>,
        %get3A_204 = arith.index_cast %squeeze3A : i32 to index
        %get3A_205 = arith.constant 112 : index
        %get3A_206 = tpu.vector_load %arg9[%get3A_204, %get3A_205] {strides = array<i32>} : memref<64x128xf32, #tpu.memory_space<vmem>>, vector<1x16xf32>,
        %get3A_207 = vector.shape_cast %get3A_206 : vector<1x16xf32> to vector<16xf32>
        %add3A_208 = arith.addf %get3A_207, %scan3A_63#7 : vector<16xf32>
        %swap3A_209 = arith.index_cast %squeeze3A : i32 to index
        %swap3A_210 = arith.constant 112 : index
        %swap3A_211 = tpu.vector_load %arg9[%swap3A_209, %swap3A_210] {strides = array<i32>} : memref<64x128xf32, #tpu.memory_space<vmem>>, vector<1x16xf32>,
        %swap3A_212 = vector.shape_cast %swap3A_211 : vector<1x16xf32> to vector<16xf32>
        %swap3A_213 = vector.shape_cast %add3A_208 : vector<16xf32> to vector<1x16xf32>
        tpu.vector_store %arg9[%swap3A_209, %swap3A_210], %swap3A_213 {strides = array<i32>} : memref<64x128xf32, #tpu.memory_space<vmem>>, vector<1x16xf32>,
        %get3A_214 = arith.index_cast %squeeze3A : i32 to index
        %get3A_215 = arith.constant 112 : index
        %get3A_216 = tpu.vector_load %arg10[%get3A_214, %get3A_215] {strides = array<i32>} : memref<64x128xf32, #tpu.memory_space<vmem>>, vector<1x16xf32>,
        %get3A_217 = vector.shape_cast %get3A_216 : vector<1x16xf32> to vector<16xf32>
        %add3A_218 = arith.addf %get3A_217, %scan3A_63#15 : vector<16xf32>
        %swap3A_219 = arith.index_cast %squeeze3A : i32 to index
        %swap3A_220 = arith.constant 112 : index
        %swap3A_221 = tpu.vector_load %arg10[%swap3A_219, %swap3A_220] {strides = array<i32>} : memref<64x128xf32, #tpu.memory_space<vmem>>, vector<1x16xf32>,
        %swap3A_222 = vector.shape_cast %swap3A_221 : vector<1x16xf32> to vector<16xf32>
        %swap3A_223 = vector.shape_cast %add3A_218 : vector<16xf32> to vector<1x16xf32>
        tpu.vector_store %arg10[%swap3A_219, %swap3A_220], %swap3A_223 {strides = array<i32>} : memref<64x128xf32, #tpu.memory_space<vmem>>, vector<1x16xf32>,
        %get3A_224 = arith.index_cast %squeeze3A : i32 to index
        %get3A_225 = arith.constant 0 : index
        %get3A_226 = tpu.vector_load %arg11[%get3A_224, %get3A_225] {strides = array<i32>} : memref<64x16xf32, #tpu.memory_space<vmem>>, vector<1x16xf32>,
        %get3A_227 = vector.shape_cast %get3A_226 : vector<1x16xf32> to vector<16xf32>
        %broadcast_in_dim3A_228 = arith.constant 8.000000e+01 : f32
        %broadcast_in_dim3A_229 = vector.broadcast %broadcast_in_dim3A_228 : f32 to vector<16xf32>
        %add3A_230 = arith.addf %get3A_227, %broadcast_in_dim3A_229 : vector<16xf32>
        %swap3A_231 = arith.index_cast %squeeze3A : i32 to index
        %swap3A_232 = arith.constant 0 : index
        %swap3A_233 = tpu.vector_load %arg11[%swap3A_231, %swap3A_232] {strides = array<i32>} : memref<64x16xf32, #tpu.memory_space<vmem>>, vector<1x16xf32>,
        %swap3A_234 = vector.shape_cast %swap3A_233 : vector<1x16xf32> to vector<16xf32>
        %swap3A_235 = vector.shape_cast %add3A_230 : vector<16xf32> to vector<1x16xf32>
        tpu.vector_store %arg11[%swap3A_231, %swap3A_232], %swap3A_235 {strides = array<i32>} : memref<64x16xf32, #tpu.memory_space<vmem>>, vector<1x16xf32>,
        %cond3A_236 = arith.constant 0 : i32
        scf.yield %cond3A_236 : i32
      } else {
        %scan3A_59 = arith.constant 0 : i32
        %scan3A_60 = arith.constant 0 : i32
        %scan3A_61 = arith.constant 80 : i32
        %scan3A_62 = arith.addi %scan3A_60, %scan3A_61 : i32
        %scan3A_63 = arith.constant 1 : i32
        %scan3A_64 = scf.for %scan3A_66 = %scan3A_60 to %scan3A_62 step %scan3A_63 iter_args(%scan3A_67 = %scan3A_59) -> (i32)  : i32 {
          %get3A_68 = arith.index_cast %scan3A_66 : i32 to index
          %get3A_69 = tpu.vector_load %arg8[%get3A_68] {strides = array<i32>} : memref<144xi32, #tpu.memory_space<vmem>>, vector<16xi32>,
          %get3A_70 = vector.shape_cast %get3A_69 : vector<16xi32> to vector<16xi32>
          %slice3A_71 = vector.extract_strided_slice %get3A_70 {offsets = [0], sizes = [1], strides = [1]} : vector<16xi32> to vector<1xi32>
          %squeeze3A_72 = vector.extract %slice3A_71[0] : i32 from vector<1xi32>
          %get3A_73 = arith.index_cast %scan3A_66 : i32 to index
          %get3A_74 = arith.constant 0 : index
          %get3A_75 = tpu.vector_load %arg7[%get3A_73, %get3A_74] {strides = array<i32>} : memref<80x128xf32, #tpu.memory_space<vmem>>, vector<1x16xf32>,
          %get3A_76 = vector.shape_cast %get3A_75 : vector<1x16xf32> to vector<16xf32>
          %get3A_77 = arith.index_cast %squeeze3A_72 : i32 to index
          %get3A_78 = arith.constant 0 : index
          %get3A_79 = tpu.vector_load %arg9[%get3A_77, %get3A_78] {strides = array<i32>} : memref<64x128xf32, #tpu.memory_space<vmem>>, vector<1x16xf32>,
          %get3A_80 = vector.shape_cast %get3A_79 : vector<1x16xf32> to vector<16xf32>
          %add3A_81 = arith.addf %get3A_80, %get3A_76 : vector<16xf32>
          %swap3A = arith.index_cast %squeeze3A_72 : i32 to index
          %swap3A_82 = arith.constant 0 : index
          %swap3A_83 = tpu.vector_load %arg9[%swap3A, %swap3A_82] {strides = array<i32>} : memref<64x128xf32, #tpu.memory_space<vmem>>, vector<1x16xf32>,
          %swap3A_84 = vector.shape_cast %swap3A_83 : vector<1x16xf32> to vector<16xf32>
          %swap3A_85 = vector.shape_cast %add3A_81 : vector<16xf32> to vector<1x16xf32>
          tpu.vector_store %arg9[%swap3A, %swap3A_82], %swap3A_85 {strides = array<i32>} : memref<64x128xf32, #tpu.memory_space<vmem>>, vector<1x16xf32>,
          %get3A_86 = arith.index_cast %squeeze3A_72 : i32 to index
          %get3A_87 = arith.constant 0 : index
          %get3A_88 = tpu.vector_load %arg10[%get3A_86, %get3A_87] {strides = array<i32>} : memref<64x128xf32, #tpu.memory_space<vmem>>, vector<1x16xf32>,
          %get3A_89 = vector.shape_cast %get3A_88 : vector<1x16xf32> to vector<16xf32>
          %mul3A_90 = arith.mulf %get3A_76, %get3A_76 : vector<16xf32>
          %add3A_91 = arith.addf %get3A_89, %mul3A_90 : vector<16xf32>
          %swap3A_92 = arith.index_cast %squeeze3A_72 : i32 to index
          %swap3A_93 = arith.constant 0 : index
          %swap3A_94 = tpu.vector_load %arg10[%swap3A_92, %swap3A_93] {strides = array<i32>} : memref<64x128xf32, #tpu.memory_space<vmem>>, vector<1x16xf32>,
          %swap3A_95 = vector.shape_cast %swap3A_94 : vector<1x16xf32> to vector<16xf32>
          %swap3A_96 = vector.shape_cast %add3A_91 : vector<16xf32> to vector<1x16xf32>
          tpu.vector_store %arg10[%swap3A_92, %swap3A_93], %swap3A_96 {strides = array<i32>} : memref<64x128xf32, #tpu.memory_space<vmem>>, vector<1x16xf32>,
          %get3A_97 = arith.index_cast %scan3A_66 : i32 to index
          %get3A_98 = arith.constant 16 : index
          %get3A_99 = tpu.vector_load %arg7[%get3A_97, %get3A_98] {strides = array<i32>} : memref<80x128xf32, #tpu.memory_space<vmem>>, vector<1x16xf32>,
          %get3A_100 = vector.shape_cast %get3A_99 : vector<1x16xf32> to vector<16xf32>
          %get3A_101 = arith.index_cast %squeeze3A_72 : i32 to index
          %get3A_102 = arith.constant 16 : index
          %get3A_103 = tpu.vector_load %arg9[%get3A_101, %get3A_102] {strides = array<i32>} : memref<64x128xf32, #tpu.memory_space<vmem>>, vector<1x16xf32>,
          %get3A_104 = vector.shape_cast %get3A_103 : vector<1x16xf32> to vector<16xf32>
          %add3A_105 = arith.addf %get3A_104, %get3A_100 : vector<16xf32>
          %swap3A_106 = arith.index_cast %squeeze3A_72 : i32 to index
          %swap3A_107 = arith.constant 16 : index
          %swap3A_108 = tpu.vector_load %arg9[%swap3A_106, %swap3A_107] {strides = array<i32>} : memref<64x128xf32, #tpu.memory_space<vmem>>, vector<1x16xf32>,
          %swap3A_109 = vector.shape_cast %swap3A_108 : vector<1x16xf32> to vector<16xf32>
          %swap3A_110 = vector.shape_cast %add3A_105 : vector<16xf32> to vector<1x16xf32>
          tpu.vector_store %arg9[%swap3A_106, %swap3A_107], %swap3A_110 {strides = array<i32>} : memref<64x128xf32, #tpu.memory_space<vmem>>, vector<1x16xf32>,
          %get3A_111 = arith.index_cast %squeeze3A_72 : i32 to index
          %get3A_112 = arith.constant 16 : index
          %get3A_113 = tpu.vector_load %arg10[%get3A_111, %get3A_112] {strides = array<i32>} : memref<64x128xf32, #tpu.memory_space<vmem>>, vector<1x16xf32>,
          %get3A_114 = vector.shape_cast %get3A_113 : vector<1x16xf32> to vector<16xf32>
          %mul3A_115 = arith.mulf %get3A_100, %get3A_100 : vector<16xf32>
          %add3A_116 = arith.addf %get3A_114, %mul3A_115 : vector<16xf32>
          %swap3A_117 = arith.index_cast %squeeze3A_72 : i32 to index
          %swap3A_118 = arith.constant 16 : index
          %swap3A_119 = tpu.vector_load %arg10[%swap3A_117, %swap3A_118] {strides = array<i32>} : memref<64x128xf32, #tpu.memory_space<vmem>>, vector<1x16xf32>,
          %swap3A_120 = vector.shape_cast %swap3A_119 : vector<1x16xf32> to vector<16xf32>
          %swap3A_121 = vector.shape_cast %add3A_116 : vector<16xf32> to vector<1x16xf32>
          tpu.vector_store %arg10[%swap3A_117, %swap3A_118], %swap3A_121 {strides = array<i32>} : memref<64x128xf32, #tpu.memory_space<vmem>>, vector<1x16xf32>,
          %get3A_122 = arith.index_cast %scan3A_66 : i32 to index
          %get3A_123 = arith.constant 32 : index
          %get3A_124 = tpu.vector_load %arg7[%get3A_122, %get3A_123] {strides = array<i32>} : memref<80x128xf32, #tpu.memory_space<vmem>>, vector<1x16xf32>,
          %get3A_125 = vector.shape_cast %get3A_124 : vector<1x16xf32> to vector<16xf32>
          %get3A_126 = arith.index_cast %squeeze3A_72 : i32 to index
          %get3A_127 = arith.constant 32 : index
          %get3A_128 = tpu.vector_load %arg9[%get3A_126, %get3A_127] {strides = array<i32>} : memref<64x128xf32, #tpu.memory_space<vmem>>, vector<1x16xf32>,
          %get3A_129 = vector.shape_cast %get3A_128 : vector<1x16xf32> to vector<16xf32>
          %add3A_130 = arith.addf %get3A_129, %get3A_125 : vector<16xf32>
          %swap3A_131 = arith.index_cast %squeeze3A_72 : i32 to index
          %swap3A_132 = arith.constant 32 : index
          %swap3A_133 = tpu.vector_load %arg9[%swap3A_131, %swap3A_132] {strides = array<i32>} : memref<64x128xf32, #tpu.memory_space<vmem>>, vector<1x16xf32>,
          %swap3A_134 = vector.shape_cast %swap3A_133 : vector<1x16xf32> to vector<16xf32>
          %swap3A_135 = vector.shape_cast %add3A_130 : vector<16xf32> to vector<1x16xf32>
          tpu.vector_store %arg9[%swap3A_131, %swap3A_132], %swap3A_135 {strides = array<i32>} : memref<64x128xf32, #tpu.memory_space<vmem>>, vector<1x16xf32>,
          %get3A_136 = arith.index_cast %squeeze3A_72 : i32 to index
          %get3A_137 = arith.constant 32 : index
          %get3A_138 = tpu.vector_load %arg10[%get3A_136, %get3A_137] {strides = array<i32>} : memref<64x128xf32, #tpu.memory_space<vmem>>, vector<1x16xf32>,
          %get3A_139 = vector.shape_cast %get3A_138 : vector<1x16xf32> to vector<16xf32>
          %mul3A_140 = arith.mulf %get3A_125, %get3A_125 : vector<16xf32>
          %add3A_141 = arith.addf %get3A_139, %mul3A_140 : vector<16xf32>
          %swap3A_142 = arith.index_cast %squeeze3A_72 : i32 to index
          %swap3A_143 = arith.constant 32 : index
          %swap3A_144 = tpu.vector_load %arg10[%swap3A_142, %swap3A_143] {strides = array<i32>} : memref<64x128xf32, #tpu.memory_space<vmem>>, vector<1x16xf32>,
          %swap3A_145 = vector.shape_cast %swap3A_144 : vector<1x16xf32> to vector<16xf32>
          %swap3A_146 = vector.shape_cast %add3A_141 : vector<16xf32> to vector<1x16xf32>
          tpu.vector_store %arg10[%swap3A_142, %swap3A_143], %swap3A_146 {strides = array<i32>} : memref<64x128xf32, #tpu.memory_space<vmem>>, vector<1x16xf32>,
          %get3A_147 = arith.index_cast %scan3A_66 : i32 to index
          %get3A_148 = arith.constant 48 : index
          %get3A_149 = tpu.vector_load %arg7[%get3A_147, %get3A_148] {strides = array<i32>} : memref<80x128xf32, #tpu.memory_space<vmem>>, vector<1x16xf32>,
          %get3A_150 = vector.shape_cast %get3A_149 : vector<1x16xf32> to vector<16xf32>
          %get3A_151 = arith.index_cast %squeeze3A_72 : i32 to index
          %get3A_152 = arith.constant 48 : index
          %get3A_153 = tpu.vector_load %arg9[%get3A_151, %get3A_152] {strides = array<i32>} : memref<64x128xf32, #tpu.memory_space<vmem>>, vector<1x16xf32>,
          %get3A_154 = vector.shape_cast %get3A_153 : vector<1x16xf32> to vector<16xf32>
          %add3A_155 = arith.addf %get3A_154, %get3A_150 : vector<16xf32>
          %swap3A_156 = arith.index_cast %squeeze3A_72 : i32 to index
          %swap3A_157 = arith.constant 48 : index
          %swap3A_158 = tpu.vector_load %arg9[%swap3A_156, %swap3A_157] {strides = array<i32>} : memref<64x128xf32, #tpu.memory_space<vmem>>, vector<1x16xf32>,
          %swap3A_159 = vector.shape_cast %swap3A_158 : vector<1x16xf32> to vector<16xf32>
          %swap3A_160 = vector.shape_cast %add3A_155 : vector<16xf32> to vector<1x16xf32>
          tpu.vector_store %arg9[%swap3A_156, %swap3A_157], %swap3A_160 {strides = array<i32>} : memref<64x128xf32, #tpu.memory_space<vmem>>, vector<1x16xf32>,
          %get3A_161 = arith.index_cast %squeeze3A_72 : i32 to index
          %get3A_162 = arith.constant 48 : index
          %get3A_163 = tpu.vector_load %arg10[%get3A_161, %get3A_162] {strides = array<i32>} : memref<64x128xf32, #tpu.memory_space<vmem>>, vector<1x16xf32>,
          %get3A_164 = vector.shape_cast %get3A_163 : vector<1x16xf32> to vector<16xf32>
          %mul3A_165 = arith.mulf %get3A_150, %get3A_150 : vector<16xf32>
          %add3A_166 = arith.addf %get3A_164, %mul3A_165 : vector<16xf32>
          %swap3A_167 = arith.index_cast %squeeze3A_72 : i32 to index
          %swap3A_168 = arith.constant 48 : index
          %swap3A_169 = tpu.vector_load %arg10[%swap3A_167, %swap3A_168] {strides = array<i32>} : memref<64x128xf32, #tpu.memory_space<vmem>>, vector<1x16xf32>,
          %swap3A_170 = vector.shape_cast %swap3A_169 : vector<1x16xf32> to vector<16xf32>
          %swap3A_171 = vector.shape_cast %add3A_166 : vector<16xf32> to vector<1x16xf32>
          tpu.vector_store %arg10[%swap3A_167, %swap3A_168], %swap3A_171 {strides = array<i32>} : memref<64x128xf32, #tpu.memory_space<vmem>>, vector<1x16xf32>,
          %get3A_172 = arith.index_cast %scan3A_66 : i32 to index
          %get3A_173 = arith.constant 64 : index
          %get3A_174 = tpu.vector_load %arg7[%get3A_172, %get3A_173] {strides = array<i32>} : memref<80x128xf32, #tpu.memory_space<vmem>>, vector<1x16xf32>,
          %get3A_175 = vector.shape_cast %get3A_174 : vector<1x16xf32> to vector<16xf32>
          %get3A_176 = arith.index_cast %squeeze3A_72 : i32 to index
          %get3A_177 = arith.constant 64 : index
          %get3A_178 = tpu.vector_load %arg9[%get3A_176, %get3A_177] {strides = array<i32>} : memref<64x128xf32, #tpu.memory_space<vmem>>, vector<1x16xf32>,
          %get3A_179 = vector.shape_cast %get3A_178 : vector<1x16xf32> to vector<16xf32>
          %add3A_180 = arith.addf %get3A_179, %get3A_175 : vector<16xf32>
          %swap3A_181 = arith.index_cast %squeeze3A_72 : i32 to index
          %swap3A_182 = arith.constant 64 : index
          %swap3A_183 = tpu.vector_load %arg9[%swap3A_181, %swap3A_182] {strides = array<i32>} : memref<64x128xf32, #tpu.memory_space<vmem>>, vector<1x16xf32>,
          %swap3A_184 = vector.shape_cast %swap3A_183 : vector<1x16xf32> to vector<16xf32>
          %swap3A_185 = vector.shape_cast %add3A_180 : vector<16xf32> to vector<1x16xf32>
          tpu.vector_store %arg9[%swap3A_181, %swap3A_182], %swap3A_185 {strides = array<i32>} : memref<64x128xf32, #tpu.memory_space<vmem>>, vector<1x16xf32>,
          %get3A_186 = arith.index_cast %squeeze3A_72 : i32 to index
          %get3A_187 = arith.constant 64 : index
          %get3A_188 = tpu.vector_load %arg10[%get3A_186, %get3A_187] {strides = array<i32>} : memref<64x128xf32, #tpu.memory_space<vmem>>, vector<1x16xf32>,
          %get3A_189 = vector.shape_cast %get3A_188 : vector<1x16xf32> to vector<16xf32>
          %mul3A_190 = arith.mulf %get3A_175, %get3A_175 : vector<16xf32>
          %add3A_191 = arith.addf %get3A_189, %mul3A_190 : vector<16xf32>
          %swap3A_192 = arith.index_cast %squeeze3A_72 : i32 to index
          %swap3A_193 = arith.constant 64 : index
          %swap3A_194 = tpu.vector_load %arg10[%swap3A_192, %swap3A_193] {strides = array<i32>} : memref<64x128xf32, #tpu.memory_space<vmem>>, vector<1x16xf32>,
          %swap3A_195 = vector.shape_cast %swap3A_194 : vector<1x16xf32> to vector<16xf32>
          %swap3A_196 = vector.shape_cast %add3A_191 : vector<16xf32> to vector<1x16xf32>
          tpu.vector_store %arg10[%swap3A_192, %swap3A_193], %swap3A_196 {strides = array<i32>} : memref<64x128xf32, #tpu.memory_space<vmem>>, vector<1x16xf32>,
          %get3A_197 = arith.index_cast %scan3A_66 : i32 to index
          %get3A_198 = arith.constant 80 : index
          %get3A_199 = tpu.vector_load %arg7[%get3A_197, %get3A_198] {strides = array<i32>} : memref<80x128xf32, #tpu.memory_space<vmem>>, vector<1x16xf32>,
          %get3A_200 = vector.shape_cast %get3A_199 : vector<1x16xf32> to vector<16xf32>
          %get3A_201 = arith.index_cast %squeeze3A_72 : i32 to index
          %get3A_202 = arith.constant 80 : index
          %get3A_203 = tpu.vector_load %arg9[%get3A_201, %get3A_202] {strides = array<i32>} : memref<64x128xf32, #tpu.memory_space<vmem>>, vector<1x16xf32>,
          %get3A_204 = vector.shape_cast %get3A_203 : vector<1x16xf32> to vector<16xf32>
          %add3A_205 = arith.addf %get3A_204, %get3A_200 : vector<16xf32>
          %swap3A_206 = arith.index_cast %squeeze3A_72 : i32 to index
          %swap3A_207 = arith.constant 80 : index
          %swap3A_208 = tpu.vector_load %arg9[%swap3A_206, %swap3A_207] {strides = array<i32>} : memref<64x128xf32, #tpu.memory_space<vmem>>, vector<1x16xf32>,
          %swap3A_209 = vector.shape_cast %swap3A_208 : vector<1x16xf32> to vector<16xf32>
          %swap3A_210 = vector.shape_cast %add3A_205 : vector<16xf32> to vector<1x16xf32>
          tpu.vector_store %arg9[%swap3A_206, %swap3A_207], %swap3A_210 {strides = array<i32>} : memref<64x128xf32, #tpu.memory_space<vmem>>, vector<1x16xf32>,
          %get3A_211 = arith.index_cast %squeeze3A_72 : i32 to index
          %get3A_212 = arith.constant 80 : index
          %get3A_213 = tpu.vector_load %arg10[%get3A_211, %get3A_212] {strides = array<i32>} : memref<64x128xf32, #tpu.memory_space<vmem>>, vector<1x16xf32>,
          %get3A_214 = vector.shape_cast %get3A_213 : vector<1x16xf32> to vector<16xf32>
          %mul3A_215 = arith.mulf %get3A_200, %get3A_200 : vector<16xf32>
          %add3A_216 = arith.addf %get3A_214, %mul3A_215 : vector<16xf32>
          %swap3A_217 = arith.index_cast %squeeze3A_72 : i32 to index
          %swap3A_218 = arith.constant 80 : index
          %swap3A_219 = tpu.vector_load %arg10[%swap3A_217, %swap3A_218] {strides = array<i32>} : memref<64x128xf32, #tpu.memory_space<vmem>>, vector<1x16xf32>,
          %swap3A_220 = vector.shape_cast %swap3A_219 : vector<1x16xf32> to vector<16xf32>
          %swap3A_221 = vector.shape_cast %add3A_216 : vector<16xf32> to vector<1x16xf32>
          tpu.vector_store %arg10[%swap3A_217, %swap3A_218], %swap3A_221 {strides = array<i32>} : memref<64x128xf32, #tpu.memory_space<vmem>>, vector<1x16xf32>,
          %get3A_222 = arith.index_cast %scan3A_66 : i32 to index
          %get3A_223 = arith.constant 96 : index
          %get3A_224 = tpu.vector_load %arg7[%get3A_222, %get3A_223] {strides = array<i32>} : memref<80x128xf32, #tpu.memory_space<vmem>>, vector<1x16xf32>,
          %get3A_225 = vector.shape_cast %get3A_224 : vector<1x16xf32> to vector<16xf32>
          %get3A_226 = arith.index_cast %squeeze3A_72 : i32 to index
          %get3A_227 = arith.constant 96 : index
          %get3A_228 = tpu.vector_load %arg9[%get3A_226, %get3A_227] {strides = array<i32>} : memref<64x128xf32, #tpu.memory_space<vmem>>, vector<1x16xf32>,
          %get3A_229 = vector.shape_cast %get3A_228 : vector<1x16xf32> to vector<16xf32>
          %add3A_230 = arith.addf %get3A_229, %get3A_225 : vector<16xf32>
          %swap3A_231 = arith.index_cast %squeeze3A_72 : i32 to index
          %swap3A_232 = arith.constant 96 : index
          %swap3A_233 = tpu.vector_load %arg9[%swap3A_231, %swap3A_232] {strides = array<i32>} : memref<64x128xf32, #tpu.memory_space<vmem>>, vector<1x16xf32>,
          %swap3A_234 = vector.shape_cast %swap3A_233 : vector<1x16xf32> to vector<16xf32>
          %swap3A_235 = vector.shape_cast %add3A_230 : vector<16xf32> to vector<1x16xf32>
          tpu.vector_store %arg9[%swap3A_231, %swap3A_232], %swap3A_235 {strides = array<i32>} : memref<64x128xf32, #tpu.memory_space<vmem>>, vector<1x16xf32>,
          %get3A_236 = arith.index_cast %squeeze3A_72 : i32 to index
          %get3A_237 = arith.constant 96 : index
          %get3A_238 = tpu.vector_load %arg10[%get3A_236, %get3A_237] {strides = array<i32>} : memref<64x128xf32, #tpu.memory_space<vmem>>, vector<1x16xf32>,
          %get3A_239 = vector.shape_cast %get3A_238 : vector<1x16xf32> to vector<16xf32>
          %mul3A_240 = arith.mulf %get3A_225, %get3A_225 : vector<16xf32>
          %add3A_241 = arith.addf %get3A_239, %mul3A_240 : vector<16xf32>
          %swap3A_242 = arith.index_cast %squeeze3A_72 : i32 to index
          %swap3A_243 = arith.constant 96 : index
          %swap3A_244 = tpu.vector_load %arg10[%swap3A_242, %swap3A_243] {strides = array<i32>} : memref<64x128xf32, #tpu.memory_space<vmem>>, vector<1x16xf32>,
          %swap3A_245 = vector.shape_cast %swap3A_244 : vector<1x16xf32> to vector<16xf32>
          %swap3A_246 = vector.shape_cast %add3A_241 : vector<16xf32> to vector<1x16xf32>
          tpu.vector_store %arg10[%swap3A_242, %swap3A_243], %swap3A_246 {strides = array<i32>} : memref<64x128xf32, #tpu.memory_space<vmem>>, vector<1x16xf32>,
          %get3A_247 = arith.index_cast %scan3A_66 : i32 to index
          %get3A_248 = arith.constant 112 : index
          %get3A_249 = tpu.vector_load %arg7[%get3A_247, %get3A_248] {strides = array<i32>} : memref<80x128xf32, #tpu.memory_space<vmem>>, vector<1x16xf32>,
          %get3A_250 = vector.shape_cast %get3A_249 : vector<1x16xf32> to vector<16xf32>
          %get3A_251 = arith.index_cast %squeeze3A_72 : i32 to index
          %get3A_252 = arith.constant 112 : index
          %get3A_253 = tpu.vector_load %arg9[%get3A_251, %get3A_252] {strides = array<i32>} : memref<64x128xf32, #tpu.memory_space<vmem>>, vector<1x16xf32>,
          %get3A_254 = vector.shape_cast %get3A_253 : vector<1x16xf32> to vector<16xf32>
          %add3A_255 = arith.addf %get3A_254, %get3A_250 : vector<16xf32>
          %swap3A_256 = arith.index_cast %squeeze3A_72 : i32 to index
          %swap3A_257 = arith.constant 112 : index
          %swap3A_258 = tpu.vector_load %arg9[%swap3A_256, %swap3A_257] {strides = array<i32>} : memref<64x128xf32, #tpu.memory_space<vmem>>, vector<1x16xf32>,
          %swap3A_259 = vector.shape_cast %swap3A_258 : vector<1x16xf32> to vector<16xf32>
          %swap3A_260 = vector.shape_cast %add3A_255 : vector<16xf32> to vector<1x16xf32>
          tpu.vector_store %arg9[%swap3A_256, %swap3A_257], %swap3A_260 {strides = array<i32>} : memref<64x128xf32, #tpu.memory_space<vmem>>, vector<1x16xf32>,
          %get3A_261 = arith.index_cast %squeeze3A_72 : i32 to index
          %get3A_262 = arith.constant 112 : index
          %get3A_263 = tpu.vector_load %arg10[%get3A_261, %get3A_262] {strides = array<i32>} : memref<64x128xf32, #tpu.memory_space<vmem>>, vector<1x16xf32>,
          %get3A_264 = vector.shape_cast %get3A_263 : vector<1x16xf32> to vector<16xf32>
          %mul3A_265 = arith.mulf %get3A_250, %get3A_250 : vector<16xf32>
          %add3A_266 = arith.addf %get3A_264, %mul3A_265 : vector<16xf32>
          %swap3A_267 = arith.index_cast %squeeze3A_72 : i32 to index
          %swap3A_268 = arith.constant 112 : index
          %swap3A_269 = tpu.vector_load %arg10[%swap3A_267, %swap3A_268] {strides = array<i32>} : memref<64x128xf32, #tpu.memory_space<vmem>>, vector<1x16xf32>,
          %swap3A_270 = vector.shape_cast %swap3A_269 : vector<1x16xf32> to vector<16xf32>
          %swap3A_271 = vector.shape_cast %add3A_266 : vector<16xf32> to vector<1x16xf32>
          tpu.vector_store %arg10[%swap3A_267, %swap3A_268], %swap3A_271 {strides = array<i32>} : memref<64x128xf32, #tpu.memory_space<vmem>>, vector<1x16xf32>,
          %get3A_272 = arith.index_cast %squeeze3A_72 : i32 to index
          %get3A_273 = arith.constant 0 : index
          %get3A_274 = tpu.vector_load %arg11[%get3A_272, %get3A_273] {strides = array<i32>} : memref<64x16xf32, #tpu.memory_space<vmem>>, vector<1x16xf32>,
          %get3A_275 = vector.shape_cast %get3A_274 : vector<1x16xf32> to vector<16xf32>
          %broadcast_in_dim3A_276 = arith.constant 1.000000e+00 : f32
          %broadcast_in_dim3A_277 = vector.broadcast %broadcast_in_dim3A_276 : f32 to vector<16xf32>
          %add3A_278 = arith.addf %get3A_275, %broadcast_in_dim3A_277 : vector<16xf32>
          %swap3A_279 = arith.index_cast %squeeze3A_72 : i32 to index
          %swap3A_280 = arith.constant 0 : index
          %swap3A_281 = tpu.vector_load %arg11[%swap3A_279, %swap3A_280] {strides = array<i32>} : memref<64x16xf32, #tpu.memory_space<vmem>>, vector<1x16xf32>,
          %swap3A_282 = vector.shape_cast %swap3A_281 : vector<1x16xf32> to vector<16xf32>
          %swap3A_283 = vector.shape_cast %add3A_278 : vector<16xf32> to vector<1x16xf32>
          tpu.vector_store %arg11[%swap3A_279, %swap3A_280], %swap3A_283 {strides = array<i32>} : memref<64x16xf32, #tpu.memory_space<vmem>>, vector<1x16xf32>,
          %scan3A_284 = arith.constant 0 : i32
          scf.yield %scan3A_284 : i32
        }
        %scan3A_65 = arith.constant 80 : i32
        scf.yield %scan3A_64 : i32
      }
      %while3A_58 = arith.constant 0 : i32
      scf.yield %while3A_58 : i32
    }
    "tpu.region"() ({
      %run_scoped3A = tpu.sem_alloc : memref<!tpu.dma_semaphore, #tpu.memory_space<semaphore_mem>>
      %dma_start3A = arith.constant 0 : i32
      %dma_start3A_41 = arith.constant 0 : i32
      %dma_start3A_42 = tpu.memref_slice %arg4[%add3A, %dma_start3A, %dma_start3A_41] : memref<32x64x128xf32, #tpu.memory_space<hbm>> -> memref<1x64x128xf32, #tpu.memory_space<hbm>>
      %dma_start3A_43 = tpu.memref_squeeze %dma_start3A_42 : memref<1x64x128xf32, #tpu.memory_space<hbm>> -> memref<64x128xf32, #tpu.memory_space<hbm>>
      %dma_start3A_44 = arith.constant 0 : i32
      %dma_start3A_45 = arith.constant 0 : i32
      %dma_start3A_46 = tpu.memref_slice %arg4[%add3A, %dma_start3A_44, %dma_start3A_45] : memref<32x64x128xf32, #tpu.memory_space<hbm>> -> memref<1x64x128xf32, #tpu.memory_space<hbm>>
      %dma_start3A_47 = tpu.memref_squeeze %dma_start3A_46 : memref<1x64x128xf32, #tpu.memory_space<hbm>> -> memref<64x128xf32, #tpu.memory_space<hbm>>
      tpu.enqueue_dma source(%arg9 : memref<64x128xf32, #tpu.memory_space<vmem>>) target(%dma_start3A_47 : memref<64x128xf32, #tpu.memory_space<hbm>>) target_semaphore(%run_scoped3A : memref<!tpu.dma_semaphore, #tpu.memory_space<semaphore_mem>>)
      %dma_wait3A = arith.constant 0 : i32
      %dma_wait3A_48 = arith.constant 0 : i32
      %dma_wait3A_49 = tpu.memref_slice %arg4[%add3A, %dma_wait3A, %dma_wait3A_48] : memref<32x64x128xf32, #tpu.memory_space<hbm>> -> memref<1x64x128xf32, #tpu.memory_space<hbm>>
      %dma_wait3A_50 = tpu.memref_squeeze %dma_wait3A_49 : memref<1x64x128xf32, #tpu.memory_space<hbm>> -> memref<64x128xf32, #tpu.memory_space<hbm>>
      %dma_wait3A_51 = arith.constant 0 : i32
      %dma_wait3A_52 = arith.constant 0 : i32
      %dma_wait3A_53 = tpu.memref_slice %arg4[%add3A, %dma_wait3A_51, %dma_wait3A_52] : memref<32x64x128xf32, #tpu.memory_space<hbm>> -> memref<1x64x128xf32, #tpu.memory_space<hbm>>
      %dma_wait3A_54 = tpu.memref_squeeze %dma_wait3A_53 : memref<1x64x128xf32, #tpu.memory_space<hbm>> -> memref<64x128xf32, #tpu.memory_space<hbm>>
      tpu.wait_dma2 semaphore(%run_scoped3A : memref<!tpu.dma_semaphore, #tpu.memory_space<semaphore_mem>>) src(%arg9 : memref<64x128xf32, #tpu.memory_space<vmem>>) dst(%dma_wait3A_54 : memref<64x128xf32, #tpu.memory_space<hbm>>)
      tpu.yield
    }) : () -> ()
    "tpu.region"() ({
      %run_scoped3A = tpu.sem_alloc : memref<!tpu.dma_semaphore, #tpu.memory_space<semaphore_mem>>
      %dma_start3A = arith.constant 0 : i32
      %dma_start3A_41 = arith.constant 0 : i32
      %dma_start3A_42 = tpu.memref_slice %arg5[%add3A, %dma_start3A, %dma_start3A_41] : memref<32x64x128xf32, #tpu.memory_space<hbm>> -> memref<1x64x128xf32, #tpu.memory_space<hbm>>
      %dma_start3A_43 = tpu.memref_squeeze %dma_start3A_42 : memref<1x64x128xf32, #tpu.memory_space<hbm>> -> memref<64x128xf32, #tpu.memory_space<hbm>>
      %dma_start3A_44 = arith.constant 0 : i32
      %dma_start3A_45 = arith.constant 0 : i32
      %dma_start3A_46 = tpu.memref_slice %arg5[%add3A, %dma_start3A_44, %dma_start3A_45] : memref<32x64x128xf32, #tpu.memory_space<hbm>> -> memref<1x64x128xf32, #tpu.memory_space<hbm>>
      %dma_start3A_47 = tpu.memref_squeeze %dma_start3A_46 : memref<1x64x128xf32, #tpu.memory_space<hbm>> -> memref<64x128xf32, #tpu.memory_space<hbm>>
      tpu.enqueue_dma source(%arg10 : memref<64x128xf32, #tpu.memory_space<vmem>>) target(%dma_start3A_47 : memref<64x128xf32, #tpu.memory_space<hbm>>) target_semaphore(%run_scoped3A : memref<!tpu.dma_semaphore, #tpu.memory_space<semaphore_mem>>)
      %dma_wait3A = arith.constant 0 : i32
      %dma_wait3A_48 = arith.constant 0 : i32
      %dma_wait3A_49 = tpu.memref_slice %arg5[%add3A, %dma_wait3A, %dma_wait3A_48] : memref<32x64x128xf32, #tpu.memory_space<hbm>> -> memref<1x64x128xf32, #tpu.memory_space<hbm>>
      %dma_wait3A_50 = tpu.memref_squeeze %dma_wait3A_49 : memref<1x64x128xf32, #tpu.memory_space<hbm>> -> memref<64x128xf32, #tpu.memory_space<hbm>>
      %dma_wait3A_51 = arith.constant 0 : i32
      %dma_wait3A_52 = arith.constant 0 : i32
      %dma_wait3A_53 = tpu.memref_slice %arg5[%add3A, %dma_wait3A_51, %dma_wait3A_52] : memref<32x64x128xf32, #tpu.memory_space<hbm>> -> memref<1x64x128xf32, #tpu.memory_space<hbm>>
      %dma_wait3A_54 = tpu.memref_squeeze %dma_wait3A_53 : memref<1x64x128xf32, #tpu.memory_space<hbm>> -> memref<64x128xf32, #tpu.memory_space<hbm>>
      tpu.wait_dma2 semaphore(%run_scoped3A : memref<!tpu.dma_semaphore, #tpu.memory_space<semaphore_mem>>) src(%arg10 : memref<64x128xf32, #tpu.memory_space<vmem>>) dst(%dma_wait3A_54 : memref<64x128xf32, #tpu.memory_space<hbm>>)
      tpu.yield
    }) : () -> ()
    "tpu.region"() ({
      %run_scoped3A = tpu.sem_alloc : memref<!tpu.dma_semaphore, #tpu.memory_space<semaphore_mem>>
      %dma_start3A = arith.constant 0 : i32
      %dma_start3A_41 = arith.constant 0 : i32
      %dma_start3A_42 = tpu.memref_slice %arg6[%add3A, %dma_start3A, %dma_start3A_41] : memref<32x64x16xf32, #tpu.memory_space<hbm>> -> memref<1x64x16xf32, #tpu.memory_space<hbm>>
      %dma_start3A_43 = tpu.memref_squeeze %dma_start3A_42 : memref<1x64x16xf32, #tpu.memory_space<hbm>> -> memref<64x16xf32, #tpu.memory_space<hbm>>
      %dma_start3A_44 = arith.constant 0 : i32
      %dma_start3A_45 = arith.constant 0 : i32
      %dma_start3A_46 = tpu.memref_slice %arg6[%add3A, %dma_start3A_44, %dma_start3A_45] : memref<32x64x16xf32, #tpu.memory_space<hbm>> -> memref<1x64x16xf32, #tpu.memory_space<hbm>>
      %dma_start3A_47 = tpu.memref_squeeze %dma_start3A_46 : memref<1x64x16xf32, #tpu.memory_space<hbm>> -> memref<64x16xf32, #tpu.memory_space<hbm>>
      tpu.enqueue_dma source(%arg11 : memref<64x16xf32, #tpu.memory_space<vmem>>) target(%dma_start3A_47 : memref<64x16xf32, #tpu.memory_space<hbm>>) target_semaphore(%run_scoped3A : memref<!tpu.dma_semaphore, #tpu.memory_space<semaphore_mem>>)
      %dma_wait3A = arith.constant 0 : i32
      %dma_wait3A_48 = arith.constant 0 : i32
      %dma_wait3A_49 = tpu.memref_slice %arg6[%add3A, %dma_wait3A, %dma_wait3A_48] : memref<32x64x16xf32, #tpu.memory_space<hbm>> -> memref<1x64x16xf32, #tpu.memory_space<hbm>>
      %dma_wait3A_50 = tpu.memref_squeeze %dma_wait3A_49 : memref<1x64x16xf32, #tpu.memory_space<hbm>> -> memref<64x16xf32, #tpu.memory_space<hbm>>
      %dma_wait3A_51 = arith.constant 0 : i32
      %dma_wait3A_52 = arith.constant 0 : i32
      %dma_wait3A_53 = tpu.memref_slice %arg6[%add3A, %dma_wait3A_51, %dma_wait3A_52] : memref<32x64x16xf32, #tpu.memory_space<hbm>> -> memref<1x64x16xf32, #tpu.memory_space<hbm>>
      %dma_wait3A_54 = tpu.memref_squeeze %dma_wait3A_53 : memref<1x64x16xf32, #tpu.memory_space<hbm>> -> memref<64x16xf32, #tpu.memory_space<hbm>>
      tpu.wait_dma2 semaphore(%run_scoped3A : memref<!tpu.dma_semaphore, #tpu.memory_space<semaphore_mem>>) src(%arg11 : memref<64x16xf32, #tpu.memory_space<vmem>>) dst(%dma_wait3A_54 : memref<64x16xf32, #tpu.memory_space<hbm>>)
      tpu.yield
    }) : () -> ()
    return
  }
}

module attributes {stable_mosaic.version = 14 : i64} {
  func.func @_apply_body(%arg0: i32, %arg1: memref<1x1x10000xi32, #tpu.memory_space<vmem>>, %arg2: memref<10000x128xf32, #tpu.memory_space<vmem>>, %arg3: memref<32x64x128xf32, #tpu.memory_space<vmem>>, %arg4: memref<32x64x128xf32, #tpu.memory_space<vmem>>, %arg5: memref<32x64x16xf32, #tpu.memory_space<vmem>>, %arg6: memref<1x128xf32, #tpu.memory_space<vmem>>, %arg7: memref<1x128xf32, #tpu.memory_space<vmem>>, %arg8: memref<1x128xf32, #tpu.memory_space<vmem>>, %arg9: memref<10000x128xf32, #tpu.memory_space<vmem>>, %arg10: memref<64x256xbf16, #tpu.memory_space<vmem>>) attributes {dimension_semantics = [#tpu.dimension_semantics<arbitrary>], iteration_bounds = array<i64: 10>, scalar_prefetch = 0 : i64, scratch_operands = 1 : i64, tpu.core_type = #tpu.core_type<tc>, window_params = [{transform_indices = @transform_0, window_bounds = array<i64: 1, 1, 10000>}, {transform_indices = @transform_1, window_bounds = array<i64: 10000, 128>}, {pipeline_mode = #tpu.pipeline_mode<synchronous>, transform_indices = @transform_2, window_bounds = array<i64: 32, 64, 128>}, {pipeline_mode = #tpu.pipeline_mode<synchronous>, transform_indices = @transform_3, window_bounds = array<i64: 32, 64, 128>}, {pipeline_mode = #tpu.pipeline_mode<synchronous>, transform_indices = @transform_4, window_bounds = array<i64: 32, 64, 16>}, {pipeline_mode = #tpu.pipeline_mode<synchronous>, transform_indices = @transform_5, window_bounds = array<i64: 1, 128>}, {pipeline_mode = #tpu.pipeline_mode<synchronous>, transform_indices = @transform_6, window_bounds = array<i64: 1, 128>}, {pipeline_mode = #tpu.pipeline_mode<synchronous>, transform_indices = @transform_7, window_bounds = array<i64: 1, 128>}, {transform_indices = @transform_8, window_bounds = array<i64: 10000, 128>}]} {
    %eq3A = arith.constant 0 : i32
    %eq3A_0 = arith.cmpi eq, %arg0, %eq3A : i32
    %convert_element_type3A = arith.extui %eq3A_0 : i1 to i32
    %cond3A = arith.constant 0 : i32
    %cond3A_1 = arith.cmpi ne, %convert_element_type3A, %cond3A : i32
    scf.if %cond3A_1 {
      %get3A_22 = arith.constant 0 : index
      %get3A_23 = arith.constant 0 : index
      %get3A_24 = arith.constant 0 : index
      %get3A_25 = vector.load %arg3[%get3A_22, %get3A_23, %get3A_24] : memref<32x64x128xf32, #tpu.memory_space<vmem>>, vector<32x64x128xf32>
      %reduce_sum3A = arith.constant dense<0.000000e+00> : vector<64x128xf32>
      %reduce_sum3A_26 = vector.multi_reduction <add>, %get3A_25, %reduce_sum3A [0] : vector<32x64x128xf32> to vector<64x128xf32>
      %get3A_27 = arith.constant 0 : index
      %get3A_28 = arith.constant 0 : index
      %get3A_29 = arith.constant 0 : index
      %get3A_30 = vector.load %arg4[%get3A_27, %get3A_28, %get3A_29] : memref<32x64x128xf32, #tpu.memory_space<vmem>>, vector<32x64x128xf32>
      %reduce_sum3A_31 = arith.constant dense<0.000000e+00> : vector<64x128xf32>
      %reduce_sum3A_32 = vector.multi_reduction <add>, %get3A_30, %reduce_sum3A_31 [0] : vector<32x64x128xf32> to vector<64x128xf32>
      %get3A_33 = arith.constant 0 : index
      %get3A_34 = arith.constant 0 : index
      %get3A_35 = arith.constant 0 : index
      %get3A_36 = vector.load %arg5[%get3A_33, %get3A_34, %get3A_35] : memref<32x64x16xf32, #tpu.memory_space<vmem>>, vector<32x64x16xf32>
      %reduce_sum3A_37 = arith.constant dense<0.000000e+00> : vector<64x16xf32>
      %reduce_sum3A_38 = vector.multi_reduction <add>, %get3A_36, %reduce_sum3A_37 [0] : vector<32x64x16xf32> to vector<64x16xf32>
      %slice3A_39 = vector.extract_strided_slice %reduce_sum3A_38 {offsets = [0, 0], sizes = [64, 1], strides = [1, 1]} : vector<64x16xf32> to vector<64x1xf32>
      %max3A = arith.constant 1.000000e+00 : f32
      %max3A_40 = vector.broadcast %max3A : f32 to vector<64x1xf32>
      %max3A_41 = arith.maximumf %slice3A_39, %max3A_40 : vector<64x1xf32>
      %div3A = vector.broadcast %max3A_41 : vector<64x1xf32> to vector<64x128xf32>
      %div3A_42 = arith.divf %reduce_sum3A_26, %div3A : vector<64x128xf32>
      %get3A_43 = arith.constant 0 : index
      %get3A_44 = arith.constant 0 : index
      %get3A_45 = vector.load %arg8[%get3A_43, %get3A_44] : memref<1x128xf32, #tpu.memory_space<vmem>>, vector<1x128xf32>
      %mul3A_46 = vector.broadcast %get3A_45 : vector<1x128xf32> to vector<64x128xf32>
      %mul3A_47 = arith.mulf %div3A_42, %mul3A_46 : vector<64x128xf32>
      %mul3A_48 = arith.constant 2.000000e+00 : f32
      %mul3A_49 = vector.broadcast %mul3A_48 : f32 to vector<64x128xf32>
      %mul3A_50 = arith.mulf %mul3A_49, %mul3A_47 : vector<64x128xf32>
      %mul3A_51 = arith.mulf %mul3A_50, %reduce_sum3A_26 : vector<64x128xf32>
      %sub3A = arith.subf %reduce_sum3A_32, %mul3A_51 : vector<64x128xf32>
      %mul3A_52 = vector.broadcast %max3A_41 : vector<64x1xf32> to vector<64x128xf32>
      %mul3A_53 = arith.mulf %mul3A_52, %mul3A_47 : vector<64x128xf32>
      %mul3A_54 = arith.mulf %mul3A_53, %mul3A_47 : vector<64x128xf32>
      %add3A_55 = arith.addf %sub3A, %mul3A_54 : vector<64x128xf32>
      %div3A_56 = vector.broadcast %max3A_41 : vector<64x1xf32> to vector<64x128xf32>
      %div3A_57 = arith.divf %add3A_55, %div3A_56 : vector<64x128xf32>
      %add3A_58 = arith.constant 9.99999997E-7 : f32
      %add3A_59 = vector.broadcast %add3A_58 : f32 to vector<64x128xf32>
      %add3A_60 = arith.addf %div3A_57, %add3A_59 : vector<64x128xf32>
      %rsqrt3A = math.rsqrt %add3A_60 : vector<64x128xf32>
      %get3A_61 = arith.constant 0 : index
      %get3A_62 = arith.constant 0 : index
      %get3A_63 = vector.load %arg6[%get3A_61, %get3A_62] : memref<1x128xf32, #tpu.memory_space<vmem>>, vector<1x128xf32>
      %mul3A_64 = vector.broadcast %get3A_63 : vector<1x128xf32> to vector<64x128xf32>
      %mul3A_65 = arith.mulf %mul3A_64, %rsqrt3A : vector<64x128xf32>
      %get3A_66 = arith.constant 0 : index
      %get3A_67 = arith.constant 0 : index
      %get3A_68 = vector.load %arg7[%get3A_66, %get3A_67] : memref<1x128xf32, #tpu.memory_space<vmem>>, vector<1x128xf32>
      %mul3A_69 = arith.mulf %mul3A_47, %mul3A_65 : vector<64x128xf32>
      %sub3A_70 = vector.broadcast %get3A_68 : vector<1x128xf32> to vector<64x128xf32>
      %sub3A_71 = arith.subf %sub3A_70, %mul3A_69 : vector<64x128xf32>
      %concatenate3A = tpu.concatenate %mul3A_65, %sub3A_71 in 1 : vector<64x128xf32>, vector<64x128xf32> -> vector<64x256xf32>
      %convert_element_type3A_72 = arith.truncf %concatenate3A : vector<64x256xf32> to vector<64x256xbf16>
      %swap3A_73 = arith.constant 0 : index
      %swap3A_74 = arith.constant 0 : index
      %swap3A_75 = vector.load %arg10[%swap3A_73, %swap3A_74] : memref<64x256xbf16, #tpu.memory_space<vmem>>, vector<64x256xbf16>
      tpu.vector_store %arg10[%swap3A_73, %swap3A_74], %convert_element_type3A_72 {strides = array<i32>} : memref<64x256xbf16, #tpu.memory_space<vmem>>, vector<64x256xbf16>,
    } else {
    }
    %get3A = arith.constant 0 : index
    %get3A_2 = arith.constant 0 : index
    %get3A_3 = arith.constant 0 : index
    %get3A_4 = vector.load %arg1[%get3A, %get3A_2, %get3A_3] : memref<1x1x10000xi32, #tpu.memory_space<vmem>>, vector<1x1x10000xi32>
    %get3A_5 = vector.shape_cast %get3A_4 : vector<1x1x10000xi32> to vector<1x10000xi32>
    %iota3A = tpu.iota {dimensions = array<i32: 0>} : vector<64x1xi32>
    %eq3A_6 = vector.broadcast %iota3A : vector<64x1xi32> to vector<64x10000xi32>
    %eq3A_7 = vector.broadcast %get3A_5 : vector<1x10000xi32> to vector<64x10000xi32>
    %eq3A_8 = arith.cmpi eq, %eq3A_6, %eq3A_7 : vector<64x10000xi32>
    %convert_element_type3A_9 = arith.extui %eq3A_8 : vector<64x10000xi1> to vector<64x10000xi32>
    %convert_element_type3A_10 = arith.sitofp %convert_element_type3A_9 : vector<64x10000xi32> to vector<64x10000xf32>
    %convert_element_type3A_11 = arith.truncf %convert_element_type3A_10 : vector<64x10000xf32> to vector<64x10000xbf16>
    %get3A_12 = arith.constant 0 : index
    %get3A_13 = arith.constant 0 : index
    %get3A_14 = vector.load %arg10[%get3A_12, %get3A_13] : memref<64x256xbf16, #tpu.memory_space<vmem>>, vector<64x256xbf16>
    %dot_general3A = arith.constant dense<0.000000e+00> : vector<10000x256xf32>
    %dot_general3A_15 = tpu.matmul %convert_element_type3A_11, %get3A_14, %dot_general3A {dimension_numbers = #tpu.dot_dimension_numbers<[0], [0], [1], [1], [0, 1, 1, 1], [], []>, transpose_lhs_hint = false} : vector<64x10000xbf16>, vector<64x256xbf16>, vector<10000x256xf32> -> vector<10000x256xf32>
    %get3A_16 = arith.constant 0 : index
    %get3A_17 = arith.constant 0 : index
    %get3A_18 = vector.load %arg2[%get3A_16, %get3A_17] : memref<10000x128xf32, #tpu.memory_space<vmem>>, vector<10000x128xf32>
    %slice3A = vector.extract_strided_slice %dot_general3A_15 {offsets = [0, 0], sizes = [10000, 128], strides = [1, 1]} : vector<10000x256xf32> to vector<10000x128xf32>
    %mul3A = arith.mulf %get3A_18, %slice3A : vector<10000x128xf32>
    %slice3A_19 = vector.extract_strided_slice %dot_general3A_15 {offsets = [0, 128], sizes = [10000, 128], strides = [1, 1]} : vector<10000x256xf32> to vector<10000x128xf32>
    %add3A = arith.addf %mul3A, %slice3A_19 : vector<10000x128xf32>
    %swap3A = arith.constant 0 : index
    %swap3A_20 = arith.constant 0 : index
    %swap3A_21 = vector.load %arg9[%swap3A, %swap3A_20] : memref<10000x128xf32, #tpu.memory_space<vmem>>, vector<10000x128xf32>
    tpu.vector_store %arg9[%swap3A, %swap3A_20], %add3A {strides = array<i32>} : memref<10000x128xf32, #tpu.memory_space<vmem>>, vector<10000x128xf32>,
    return
  }
  func.func @transform_0(%arg0: i32) -> (i32, i32, i32) {
    %c0_i32 = arith.constant 0 : i32
    %c0_i32_0 = arith.constant 0 : i32
    %c0_i32_1 = arith.constant 0 : i32
    return %arg0, %c0_i32, %c0_i32_0 : i32, i32, i32
  }
  func.func @transform_1(%arg0: i32) -> (i32, i32) {
    %c0_i32 = arith.constant 0 : i32
    %c0_i32_0 = arith.constant 0 : i32
    return %arg0, %c0_i32 : i32, i32
  }
  func.func @transform_2(%arg0: i32) -> (i32, i32, i32) {
    %c0_i32 = arith.constant 0 : i32
    %c0_i32_0 = arith.constant 0 : i32
    %c0_i32_1 = arith.constant 0 : i32
    %c0_i32_2 = arith.constant 0 : i32
    return %c0_i32, %c0_i32_0, %c0_i32_1 : i32, i32, i32
  }
  func.func @transform_3(%arg0: i32) -> (i32, i32, i32) {
    %c0_i32 = arith.constant 0 : i32
    %c0_i32_0 = arith.constant 0 : i32
    %c0_i32_1 = arith.constant 0 : i32
    %c0_i32_2 = arith.constant 0 : i32
    return %c0_i32, %c0_i32_0, %c0_i32_1 : i32, i32, i32
  }
  func.func @transform_4(%arg0: i32) -> (i32, i32, i32) {
    %c0_i32 = arith.constant 0 : i32
    %c0_i32_0 = arith.constant 0 : i32
    %c0_i32_1 = arith.constant 0 : i32
    %c0_i32_2 = arith.constant 0 : i32
    return %c0_i32, %c0_i32_0, %c0_i32_1 : i32, i32, i32
  }
  func.func @transform_5(%arg0: i32) -> (i32, i32) {
    %c0_i32 = arith.constant 0 : i32
    %c0_i32_0 = arith.constant 0 : i32
    %c0_i32_1 = arith.constant 0 : i32
    return %c0_i32, %c0_i32_0 : i32, i32
  }
  func.func @transform_6(%arg0: i32) -> (i32, i32) {
    %c0_i32 = arith.constant 0 : i32
    %c0_i32_0 = arith.constant 0 : i32
    %c0_i32_1 = arith.constant 0 : i32
    return %c0_i32, %c0_i32_0 : i32, i32
  }
  func.func @transform_7(%arg0: i32) -> (i32, i32) {
    %c0_i32 = arith.constant 0 : i32
    %c0_i32_0 = arith.constant 0 : i32
    %c0_i32_1 = arith.constant 0 : i32
    return %c0_i32, %c0_i32_0 : i32, i32
  }
  func.func @transform_8(%arg0: i32) -> (i32, i32) {
    %c0_i32 = arith.constant 0 : i32
    %c0_i32_0 = arith.constant 0 : i32
    return %arg0, %c0_i32 : i32, i32
  }
}

</mosaic_0001>

<sc_bundles>
// kernel: kernel.4.cloned.1.call-start
scs
__scs_entry_jumppad:
0x0: {  	(pc) =	sbr.rel $0x88, $3  }
0x1: {  	(tag) =	ssettag $0x0;
	lr =	simm.s32 $0x1  }
0x2: {  	[smem:$0x3F9C] =	sst lr;
	_ =	strace $0xD0000000  }
0x3: {  	_ = 	snop  }
0x4: {  	_ = 	snop  }
0x5: {  	_ = 	snop  }
0x6: {  	_ = 	snop  }
0x7: {  	_ = 	snop  }
__scs_overlays_trampoline_lowered:
0x8: {  	[smem:$0x3FAB] =	sst s0  }
0x9: {  	[smem:$0x3FAC] =	sst s1  }
0xa: {  	[smem:$0x3FAD] =	sst s2  }
0xb: {  	[smem:$0x3FAE] =	sst s3  }
0xc: {  	[smem:$0x3FAF] =	sst s4  }
0xd: {  	[smem:$0x3FB0] =	sst s5  }
0xe: {  	[smem:$0x3FB1] =	sst s6  }
0xf: {  	[smem:$0x3FB2] =	sst s7  }
0x10: {  	[smem:$0x3FB3] =	sst s8  }
0x11: {  	[smem:$0x3FB4] =	sst s9;
	s0 =	simm.s32 @!p0 $0x0  }
0x12: {  	s1 =	sld [smem:$0x3F9A];
	s0 =	simm.s32 @p0 $0x1  }
0x13: {  	[smem:$0x3FB5] =	sst s0;
	s0 =	simm.s32 @!p1 $0x0  }
0x14: {  	s2 =	sld [smem:$0x3F99];
	s0 =	simm.s32 @p1 $0x1  }
0x15: {  	[smem:$0x3FB6] =	sst s0;
	s0 =	simm.s32 @!p2 $0x0  }
0x16: {  	s3 =	sld [smem:$0x3FDB];
	s0 =	simm.s32 @p2 $0x1  }
0x17: {  	s4 =	simm.s32 $0x1BF5;
	[smem:$0x3FB8] =	sst s0  }
0x18: {  	s0 =	sld [smem:$0x3F9B];
	_ =	swait.ge [sflag:s4], $0x0  }
0x19: {  	s7 =	sld [smem:$0x3F9C]  }
0x1a: {  	s8 =	sadd.s32 $0xFFFFE003, lr  }
0x1b: {  	s9 =	sadd.s32 $0xFFFFFEF7, lr;
	s5 =	simm.s32 $0xFFFFFFFF;
	p2 =	slt.u32 s8, $0xFFFFF086  }
0x1c: {  	p1 =	slt.u32 s9, $0xF7A;
	s5 =	simm.s32 @!p2 $0x0  }
0x1d: {  	s5 =	simm.s32 @p1 $0x1;
	p0 =	seq.s32 s7, s2  }
0x1e: {  	s7 =	smul.u32 @!p0 $0xF7A, s2;
	p2 =	seq.s32 @!p0 s5, $0x0  }
0x1f: {  	s9 =	smul.u32 $0xF7A, s1;
	s8 =	simm.s32 @!p0 $0x1BF5;
	p2 =	por !p2, p0  }
0x20: {  	[sflag:s8] =	ssyncset.s32 @!p0 $0xFFFFF086;
	s6 =	sadd.s32 @!p0 s3, s7;
	s7 =	simm.s32 @!p0 $0x108  }
0x21: {  	s3 =	sadd.s32 s3, s9;
	s6 =	sadd.s32 @!p0 $0x88, s6;
	s7 =	simm.s32 @p2 $0x1082  }
0x22: {  	[simem:s7], [sflag:s8] =	dma.local @!p0 [hbm:s6], $0xF7A  }
0x23: {  	s9 =	sor.u32 $0xD0000000, s2;
	s6 =	simm.s32 $0x108;
	_ =	swait.ge @!p0 [sflag:s8], $0x0  }
0x24: {  	s3 =	sadd.s32 $0x88, s3;
	s6 =	simm.s32 @!p1 $0x1082;
	[sflag:s4] =	ssyncset.s32 $0xFFFFF086  }
0x25: {  	[simem:s6], [sflag:s4] =	dma.local [hbm:s3], $0xF7A  }
0x26: {  	[smem:$0x3F9C] =	sst s1;
	(tag) =	ssettag s2;
	_ =	strace s9  }
0x27: {  	s1 =	sld [smem:$0x3FAC]  }
0x28: {  	s2 =	sld [smem:$0x3FAD]  }
0x29: {  	s4 =	sld [smem:$0x3FAF]  }
0x2a: {  	p0 =	seq.s32 s5, $0x0;
	s5 =	sld [smem:$0x3FB0]  }
0x2b: {  	s6 =	sld [smem:$0x3FB1]  }
0x2c: {  	s7 =	sld [smem:$0x3FB2]  }
0x2d: {  	s3 =	simm.s32 $0x108;
	s8 =	sld [smem:$0x3FB3]  }
0x2e: {  	s3 =	simm.s32 @!p0 $0x1082;
	s9 =	sld [smem:$0x3FB4]  }
0x2f: {  	lr =	sadd.s32 s0, s3;
	s0 =	sld [smem:$0x3FAB]  }
0x30: {  	s3 =	sld [smem:$0x3FAE]  }
0x31: {  	[smem:$0x3FB7] =	sst s10  }
0x32: {  	s10 =	sld [smem:$0x3FB5];
	_ =	sdelay $0x3  }
0x33: {  	p0 =	seq.s32 s10, $0x1;
	s10 =	sld [smem:$0x3FB7];
	_ =	sdelay $0x3  }
0x34: {  	[smem:$0x3FB7] =	sst s10  }
0x35: {  	s10 =	sld [smem:$0x3FB6];
	_ =	sdelay $0x3  }
0x36: {  	p1 =	seq.s32 s10, $0x1;
	s10 =	sld [smem:$0x3FB7];
	_ =	sdelay $0x3  }
0x37: {  	[smem:$0x3FB7] =	sst s10  }
0x38: {  	s10 =	sld [smem:$0x3FB8]  }
0x39: {  	_ = 	snop;
	(pc) =	sbr.ind lr, $3  }
0x3a: {  	_ = 	snop  }
0x3b: {  	_ = 	snop  }
0x3c: {  	p2 =	seq.s32 s10, $0x1;
	s10 =	sld [smem:$0x3FB7]  }
0x3d: {  	_ =	shalt  }
0x3e: {  	_ =	shalt  }
0x3f: {  	_ =	shalt  }
0x40: {  	_ =	shalt  }
0x41: {  	_ =	shalt  }
0x42: {  	_ =	shalt  }
0x43: {  	_ =	shalt  }
0x44: {  	_ =	shalt  }
0x45: {  	_ =	shalt  }
0x46: {  	_ =	shalt  }
0x47: {  	_ =	shalt  }
0x48: {  	_ =	shalt  }
0x49: {  	_ =	shalt  }
0x4a: {  	_ =	shalt  }
0x4b: {  	_ =	shalt  }
0x4c: {  	_ =	shalt  }
0x4d: {  	_ =	shalt  }
0x4e: {  	_ =	shalt  }
0x4f: {  	_ =	shalt  }
0x50: {  	_ =	shalt  }
0x51: {  	_ =	shalt  }
0x52: {  	_ =	shalt  }
0x53: {  	_ =	shalt  }
0x54: {  	_ =	shalt  }
0x55: {  	_ =	shalt  }
0x56: {  	_ =	shalt  }
0x57: {  	_ =	shalt  }
0x58: {  	_ =	shalt  }
0x59: {  	_ =	shalt  }
0x5a: {  	_ =	shalt  }
0x5b: {  	_ =	shalt  }
0x5c: {  	_ =	shalt  }
0x5d: {  	_ =	shalt  }
0x5e: {  	_ =	shalt  }
0x5f: {  	_ =	shalt  }
0x60: {  	_ =	shalt  }
0x61: {  	_ =	shalt  }
0x62: {  	_ =	shalt  }
0x63: {  	_ =	shalt  }
0x64: {  	_ =	shalt  }
0x65: {  	_ =	shalt  }
0x66: {  	_ =	shalt  }
0x67: {  	_ =	shalt  }
0x68: {  	_ =	shalt  }
0x69: {  	_ =	shalt  }
0x6a: {  	_ =	shalt  }
0x6b: {  	_ =	shalt  }
0x6c: {  	_ =	shalt  }
0x6d: {  	_ =	shalt  }
0x6e: {  	_ =	shalt  }
0x6f: {  	_ =	shalt  }
0x70: {  	_ =	shalt  }
0x71: {  	_ =	shalt  }
0x72: {  	_ =	shalt  }
0x73: {  	_ =	shalt  }
0x74: {  	_ =	shalt  }
0x75: {  	_ =	shalt  }
0x76: {  	_ =	shalt  }
0x77: {  	_ =	shalt  }
0x78: {  	_ =	shalt  }
0x79: {  	_ =	shalt  }
0x7a: {  	_ =	shalt  }
0x7b: {  	_ =	shalt  }
0x7c: {  	_ =	shalt  }
0x7d: {  	_ =	shalt  }
0x7e: {  	_ =	shalt  }
0x7f: {  	_ =	shalt  }
0x80: {  	_ =	shalt  }
0x81: {  	_ =	shalt  }
0x82: {  	_ =	shalt  }
0x83: {  	_ =	shalt  }
0x84: {  	_ =	shalt  }
0x85: {  	_ =	shalt  }
0x86: {  	_ =	shalt  }
0x87: {  	_ =	shalt  }
.Lfunc_end0:
.L_simem_size_0:
called_computation_lowered:
.L_overlay_start_0:
0x88: {  	s2 =	sld [smem:$0x3FD9]  }
0x89: {  	s3 =	sld [smem:$0x3FFE];
	_ =	sdelay $0x1  }
0x8a: {  	s1 =	srdreg.scid  }
0x8b: {  	s0 =	sand.u32 $0x1, s1  }
0x8c: {  	s17 =	sshll.u32 s0, $0xA;
	s2 =	sadd.s32 s3, s2  }
0x8d: {  	s2 =	sadd.s32 s2, s17  }
0x8e: {  	[smem:$0x3FC3] =	sst s2  }
0x8f: {  	_ = 	snop  }
0x90: {  	s2 =	sld [smem:$0x3FC9]  }
0x91: {  	s18 =	sld [smem:$0x3FD0];
	(tm) =	ssettm $0x1  }
0x92: {  	s4 =	sld [smem:$0x3FFB];
	_ =	sdelay $0x3  }
0x93: {  	_ =	strace s4  }
0x94: {  	s4 =	sld [smem:$0x3FFC];
	_ =	sdelay $0x3  }
0x95: {  	_ =	strace s4  }
0x96: {  	s4 =	sld [smem:$0x3FFD];
	_ =	sdelay $0x3  }
0x97: {  	_ =	strace s4  }
0x98: {  	_ =	strace $0x8FFFFFFF  }
0x99: {  	s19 =	sld [smem:$0x3FDB];
	_ =	sdelay $0x1  }
0x9a: {  	s5 =	simm.s32 $_scs_section_size  }
0x9b: {  	s6 =	simm.s32 $_size__tile_overlayer_lowered;
	s7 =	simm.s32 $_tile_overlayer_lowered  }
0x9c: {  	s22 =	simm.s32 $0x1BFF;
	s21 =	sshll.u32 s7, $0x1;
	s4 =	sadd.s32 s5, s19  }
0x9d: {  	s8 =	simm.s32 $0x0;
	s20 =	sshll.u32 s6, $0x1;
	s6 =	sadd.s32 s21, s4  }
0x9e: {  	[timem:s8], [sflag:s22] =	dma.local [hbm:s6], s20  }
0x9f: {  	_ =	swait.ge [sflag:s22], s20  }
0xa0: {  	s5 =	ssub.s32 $0x0, s20;
	[sflag:s22] =	ssyncset.done $0x0  }
0xa1: {  	[sflag:s22] =	ssyncadd.s32 s5;
	_ =	sdelay $0x1  }
0xa2: {  	s23 =	simm.s32 $0x1B8B  }
0xa3: {  	_ =	swait.ge [sflag:s23], $0x1  }
0xa4: {  	[sflag:s23] =	ssyncset.done $0x0  }
0xa5: {  	s25 =	simm.s32 $0x1B8E;
	s24 =	sld [smem:$0x3FFE];
	[sflag:s23] =	ssyncadd.s32 $0xFFFFFFFF  }
0xa6: {  	s26 =	simm.s32 $execute0_lowered;
	[smem:$0x3FD2] =	sst s25  }
0xa7: {  	s6 =	sshll.u32 s26, $0x1;
	_ =	strace $0x80000046;
	[dreg:$0x1] =	wrdreg $0xFFFFFFFF  }
0xa8: {  	s28 =	simm.s32 $_size_execute0_lowered;
	s4 =	sadd.s32 s4, s6;
	[dreg:$0x0] =	wrdreg $0x0  }
0xa9: {  	s6 =	sshll.u32 s28, $0x1;
	[dreg:$0x2] =	wrdreg s4  }
0xaa: {  	[dreg:$0x3] =	wrdreg s6  }
0xab: {  	[dreg:$0x4] =	wrdreg $0xC0  }
0xac: {  	_ =	task [dreg:s8], $0x5FFFF  }
0xad: {  	[dreg:$0x1] =	wrdreg $0xFFFFFFFF  }
0xae: {  	[dreg:$0x0] =	wrdreg $0x60  }
0xaf: {  	[dreg:$0x2] =	wrdreg s2  }
0xb0: {  	[dreg:$0x3] =	wrdreg s24  }
0xb1: {  	[dreg:$0x4] =	wrdreg s18  }
0xb2: {  	[dreg:$0x5] =	wrdreg $0x9  }
0xb3: {  	_ =	task.clear_ibuf [dreg:s8], $0x6FFFF;
	_ =	strace $0x90000046  }
0xb4: {  	s29 =	simm.s32 $0x9;
	_ =	strace $0x80000048  }
0xb5: {  	_ =	swait.ge [sflag:s29], $0x1  }
0xb6: {  	[sflag:s29] =	ssyncadd.s32 $0xFFFFFFFF  }
0xb7: {  	_ =	strace $0x90000048  }
0xb8: {  	_ =	sfence  }
0xb9: {  	s30 =	sld [smem:$0x0];
	_ =	sdelay $0x2  }
0xba: {  	s31 =	sshll.u32 s1, $0xD;
	s1 =	sshrl.u32 s1, $0x2  }
0xbb: {  	s3 =	sand.u32 $0x4000, s31;
	s1 =	sadd.s32 s1, s30  }
0xbc: {  	s0 =	sor.u32 s3, s0;
	s1 =	sshll.u32 s1, $0x11  }
0xbd: {  	s0 =	sor.u32 s1, s0  }
0xbe: {  	s0 =	sadd.s32 $0x8F2B, s0  }
0xbf: {  	[sflag:s0] =	ssyncadd.remote.s32 $0x1  }
0xc0: {  	_ =	sfence.sel $0xFFFF  }
0xc1: {  	[dreg:$0x0] =	wrdreg $0xFFFFFFFF;
	(pc) =	sbr.abs _section_cstart, $3  }
0xc2: {  	[dreg:$0x1] =	wrdreg $0xFFFFFFFF  }
0xc3: {  	_ =	task.clear_ibuf [dreg:s8], $0x2FFFF;
	_ =	strace $0x9FFFFFFF  }
0xc4: {  	(tm) =	ssettm $0x7FFFFFFF  }
0xc5: {  	_ =	shalt  }
tec
execute0_lowered:
.L_overlay_start_1:
0x0: {  	(tag) =	ssettag $0x1  }
0x1: {  	s1 =	rddreg [dreg:$0x0]  }
0x2: {  	s6 =	rddreg [dreg:$0x1]  }
0x3: {  	s7 =	rddreg [dreg:$0x2]  }
0x4: {  	s0 =	rddreg [dreg:$0x3];
	s3 =	simm.s32 $0x0;
	s4 =	srdreg.scid  }
0x5: {  	s2 =	stileid.u32;
	s14 =	simm.s32 $0x2900;
	s15 =	simm.s32 $0x4900  }
0x6: {  	s16 =	simm.s32 $0x6900;
	s17 =	simm.s32 $0x0;
	[smem:$0x7FF] =	sst s3  }
0x7: {  	s8 =	sand.u32 $0x1, s4;
	s5 =	sshll.u32 s2, $0x1;
	s4 =	sadd.s32 $0x1600, s6  }
0x8: {  	_ =	strace $0x80000047;
	s5 =	sor.u32 s8, s5;
	s8 =	ssub.s32 $0x2, s8  }
.Ltmp0:
0x9: {  	s9 =	sshll.u32 s5, $0xA;
	s10 =	sshrl.u32 s8, $0x1;
	(pc) =	sbr.rel .LBB2_1-.Ltmp0, $4  }
0xa: {  	s11 =	sshll.u32 s5, $0x7;
	s31 =	ssub.s32 $0x4E1, s5;
	s12 =	sadd.s32 s9, s6  }
0xb: {  	s13 =	ssub.s32 s8, s10;
	s6 =	sand.u32 $0x380, s11;
	s7 =	sadd.s32 s7, s9  }
0xc: {  	s10 =	sshrl.u32 s31, $0x5;
	s8 =	sadd.s32 $0x6600, s12;
	s9 =	sadd.s32 $0xE600, s12  }
0xd: {  	v0 =	vimm.f32 $0.0e+00;
	s11 =	smax.u32 s13, $0x1;
	s12 =	simm.s32 $0x1;
	s13 =	simm.s32 $0x2800  }
.LBB2_12:
0xe: {  	[hbm4b:s7+s3] =	stream.linear.scatter [tilespmem:s14], [sflag:$0x1], $0x2000, $0x38;
	[tilespmem:$0x8900] =	vst v63  }
0xf: {  	_ =	swait.ge [sflag:s12], $0x2000  }
0x10: {  	[sflag:s12] =	ssyncset.done $0x0  }
0x11: {  	[sflag:s12] =	ssyncadd.s32 $0xFFFFE000  }
0x12: {  	[hbm4b:s8+s3] =	stream.linear.scatter [tilespmem:s15], [sflag:$0x1], $0x2000, $0x38;
	[tilespmem:$0x8900] =	vst v63  }
0x13: {  	s17 =	sadd.s32 $0x1, s17;
	_ =	swait.ge [sflag:s12], $0x2000  }
0x14: {  	p0 =	sne.s32 s17, s11;
	[sflag:s12] =	ssyncset.done $0x0  }
.Ltmp1:
0x15: {  	[sflag:s12] =	ssyncadd.s32 $0xFFFFE000;
	(pc) =	sbr.rel @!p0 .LBB2_13-.Ltmp1, $4  }
0x16: {  	[hbm4b:s9+s3] =	stream.linear.scatter [tilespmem:s16], [sflag:$0x1], $0x2000, $0x38;
	[tilespmem:$0x8900] =	vst v63  }
0x17: {  	_ =	swait.ge [sflag:s12], $0x2000  }
0x18: {  	[sflag:s12] =	ssyncset.done $0x0  }
0x19: {  	[sflag:s12] =	ssyncadd.s32 $0xFFFFE000  }
.LBB2_1:
0x1a: {  	s19 =	simm.s32 $0x0;
	s18 =	simm.s32 $0x200  }
.LBB2_2:
0x1b: {  	p0 =	sne.s32 s18, $0x7E00;
	[tilespmem:s19+$0x6900] =	vst v0  }
0x1c: {  	[tilespmem:s19+$0x2900] =	vst v0  }
0x1d: {  	[tilespmem:s19+$0x4900] =	vst v0  }
0x1e: {  	[tilespmem:s19+$0x2910] =	vst v0  }
0x1f: {  	[tilespmem:s19+$0x4910] =	vst v0  }
0x20: {  	[tilespmem:s19+$0x2920] =	vst v0  }
0x21: {  	[tilespmem:s19+$0x4920] =	vst v0  }
0x22: {  	[tilespmem:s19+$0x2930] =	vst v0  }
0x23: {  	[tilespmem:s19+$0x4930] =	vst v0  }
0x24: {  	[tilespmem:s19+$0x2940] =	vst v0  }
0x25: {  	[tilespmem:s19+$0x4940] =	vst v0  }
0x26: {  	[tilespmem:s19+$0x2950] =	vst v0  }
.Ltmp2:
0x27: {  	[tilespmem:s19+$0x4950] =	vst v0;
	(pc) =	sbr.rel @p0 .LBB2_2-.Ltmp2, $4  }
0x28: {  	[tilespmem:s19+$0x2960] =	vst v0  }
0x29: {  	[tilespmem:s19+$0x4960] =	vst v0  }
0x2a: {  	[tilespmem:s19+$0x2970] =	vst v0  }
0x2b: {  	[tilespmem:s19+$0x4970] =	vst v0;
	s19 =	sshra.s32 s18, $0x2;
	s18 =	sadd.s32 $0x200, s18  }
0x2c: {  	[tilespmem:s19+$0x6900] =	vst v0  }
0x2d: {  	[tilespmem:s19+$0x2900] =	vst v0  }
0x2e: {  	[tilespmem:s19+$0x4900] =	vst v0  }
0x2f: {  	[tilespmem:s19+$0x2910] =	vst v0  }
0x30: {  	[tilespmem:s19+$0x4910] =	vst v0  }
0x31: {  	[tilespmem:s19+$0x2920] =	vst v0  }
0x32: {  	[tilespmem:s19+$0x4920] =	vst v0  }
0x33: {  	[tilespmem:s19+$0x2930] =	vst v0  }
0x34: {  	[tilespmem:s19+$0x4930] =	vst v0  }
0x35: {  	[tilespmem:s19+$0x2940] =	vst v0  }
0x36: {  	[tilespmem:s19+$0x4940] =	vst v0  }
0x37: {  	[tilespmem:s19+$0x2950] =	vst v0  }
.Ltmp3:
0x38: {  	[tilespmem:s19+$0x4950] =	vst v0;
	(pc) =	sbr.rel .LBB2_4-.Ltmp3, $4  }
0x39: {  	[tilespmem:s19+$0x2960] =	vst v0  }
0x3a: {  	[tilespmem:s19+$0x4960] =	vst v0  }
0x3b: {  	[tilespmem:s19+$0x2970] =	vst v0  }
0x3c: {  	s18 =	simm.s32 $0x0;
	[tilespmem:s19+$0x4970] =	vst v0;
	s19 =	simm.s32 $0x0  }
.LBB2_10:
0x3d: {  	[tilespmem:s21+$0x4970] =	vst v1  }
.LBB2_11:
0x3e: {  	p0 =	sne.s32 s19, s10  }
.Ltmp4:
0x3f: {  	_ = 	snop;
	(pc) =	sbr.rel @!p0 .LBB2_12-.Ltmp4, $3  }
0x40: {  	_ =	sdelay $0x1  }
0x41: {  	s20 =	sadd.s32 $0x1, s19  }
0x42: {  	s19 =	smov.u32 s20  }
.LBB2_4:
0x43: {  	s20 =	sshll.u32 s19, $0x5  }
0x44: {  	s20 =	sor.u32 s5, s20  }
0x45: {  	s21 =	smul.u32 $0x2800, s20;
	_ =	sdelay $0x1  }
0x46: {  	s20 =	sshll.u32 s20, $0x7;
	s21 =	sshrl.u32 s21, $0x3  }
0x47: {  	s20 =	sand.u32 $0xFFFFFC00, s20;
	s21 =	sadd.s32 s1, s21  }
0x48: {  	[tilespmem:s18], [sflag:$0x1] =	stream.linear.gather [hbm4b:s21+s18], $0x2800, $0x38;
	[tilespmem:$0x8900] =	vst v63  }
0x49: {  	s20 =	sor.u32 s6, s20;
	_ =	swait.ge [sflag:s12], $0x2800  }
0x4a: {  	s20 =	sshrl.u32 s20, $0x3;
	[sflag:s12] =	ssyncset.done $0x0  }
0x4b: {  	s20 =	sadd.s32 s4, s20;
	[sflag:s12] =	ssyncadd.s32 $0xFFFFD800  }
0x4c: {  	[tilespmem:s13], [sflag:$0x1] =	stream.linear.gather [hbm4b:s20+s18], $0x80, $0x38;
	[tilespmem:$0x8900] =	vst v63  }
0x4d: {  	_ =	swait.ge [sflag:s12], $0x80  }
0x4e: {  	[sflag:s12] =	ssyncset.done $0x0  }
0x4f: {  	[sflag:s12] =	ssyncadd.s32 $0xFFFFFF80  }
0x50: {  	v1 =	vld [tilespmem:$0x2800]  }
0x51: {  	v2 =	vld [tilespmem:$0x2840];
	_ =	sdelay $0x3  }
0x52: {  	(v2sf) =	vpush v1, $0x0  }
0x53: {  	(v2sf) =	vpush v2, $0xF;
	_ =	sdelay $0xd  }
0x54: {  	s21 =	spop (v2sf)  }
0x55: {  	s31 =	spop (v2sf)  }
0x56: {  	p0 =	sne.s32 s21, s31  }
.Ltmp5:
0x57: {  	_ = 	snop;
	(pc) =	sbr.rel @p0 .LBB2_8-.Ltmp5, $2  }
0x58: {  	_ =	sdelay $0x2  }
0x59: {  	v5 =	vimm.f32 $0.0e+00;
	s20 =	simm.s32 $0x40  }
0x5a: {  	s23 =	sshra.s32 s18, $0x2  }
0x5b: {  	v2 =	vld [tilespmem:s23+$0x70]  }
0x5c: {  	v3 =	vld [tilespmem:s23+$0x0]  }
0x5d: {  	v6 =	vld [tilespmem:s23+$0x10]  }
0x5e: {  	v15 =	vimm.f32 $0.0e+00;
	v16 =	vimm.f32 $0.0e+00;
	v13 =	vimm.f32 $0.0e+00  }
0x5f: {  	v14 =	vimm.f32 $0.0e+00;
	v8 =	vimm.f32 $0.0e+00;
	v11 =	vimm.f32 $0.0e+00;
	v18 =	vld [tilespmem:s23+$0x20]  }
0x60: {  	v10 =	vimm.f32 $0.0e+00;
	v9 =	vimm.f32 $0.0e+00;
	v12 =	vimm.f32 $0.0e+00;
	v19 =	vld [tilespmem:s23+$0x30]  }
0x61: {  	v7 =	vimm.f32 $0.0e+00;
	v17 =	vld [tilespmem:s23+$0x40];
	v1 =	vadd.f32 v2, v5;
	v2 =	vmul.f32 v2, v2  }
0x62: {  	s22 =	sadd.s32 $0x200, s18;
	v20 =	vld [tilespmem:s23+$0x50];
	v4 =	vadd.f32 v3, v5;
	v23 =	vmul.f32 v3, v3;
	v3 =	vadd.f32 v6, v5  }
0x63: {  	s20 =	sshra.s32 s22, $0x2;
	s22 =	sadd.s32 $0x200, s22;
	v21 =	vld [tilespmem:s23+$0x60];
	v22 =	vmul.f32 v6, v6;
	v6 =	vimm.f32 $0.0e+00;
	v2 =	vadd.f32 v2, v5  }
.LBB2_6:
0x64: {  	p0 =	sne.s32 s22, $0x9E00;
	v24 =	vld [tilespmem:s20+$0x70];
	v5 =	vadd.f32 v23, v5;
	v15 =	vadd.f32 v18, v15;
	v18 =	vmul.f32 v18, v18  }
0x65: {  	v23 =	vld [tilespmem:s20+$0x0];
	v16 =	vadd.f32 v22, v16;
	v13 =	vadd.f32 v19, v13;
	v19 =	vmul.f32 v19, v19  }
0x66: {  	v22 =	vld [tilespmem:s20+$0x10];
	v14 =	vadd.f32 v18, v14;
	v8 =	vadd.f32 v17, v8;
	v17 =	vmul.f32 v17, v17  }
.Ltmp6:
0x67: {  	v18 =	vld [tilespmem:s20+$0x20];
	v11 =	vadd.f32 v19, v11;
	v10 =	vadd.f32 v20, v10;
	v20 =	vmul.f32 v20, v20;
	(pc) =	sbr.rel @p0 .LBB2_6-.Ltmp6, $4  }
0x68: {  	v19 =	vld [tilespmem:s20+$0x30];
	v9 =	vadd.f32 v17, v9;
	v12 =	vadd.f32 v21, v12;
	v21 =	vmul.f32 v21, v21  }
0x69: {  	v17 =	vld [tilespmem:s20+$0x40];
	v1 =	vadd.f32 v24, v1;
	v24 =	vmul.f32 v24, v24;
	v7 =	vadd.f32 v20, v7  }
0x6a: {  	v4 =	vadd.f32 v23, v4;
	v23 =	vmul.f32 v23, v23;
	v20 =	vld [tilespmem:s20+$0x50];
	v6 =	vadd.f32 v21, v6  }
0x6b: {  	v3 =	vadd.f32 v22, v3;
	v22 =	vmul.f32 v22, v22;
	v21 =	vld [tilespmem:s20+$0x60];
	s20 =	sshra.s32 s22, $0x2;
	s22 =	sadd.s32 $0x200, s22;
	v2 =	vadd.f32 v24, v2  }
0x6c: {  	v24 =	vld [tilespmem:s20+$0x70]  }
0x6d: {  	v25 =	vld [tilespmem:s20+$0x0]  }
0x6e: {  	v26 =	vld [tilespmem:s20+$0x10]  }
0x6f: {  	v27 =	vld [tilespmem:s20+$0x20]  }
0x70: {  	v28 =	vld [tilespmem:s20+$0x30]  }
0x71: {  	v29 =	vld [tilespmem:s20+$0x40]  }
0x72: {  	v5 =	vadd.f32 v23, v5;
	v61 =	vmul.f32 v18, v18;
	v63 =	vld [tilespmem:s20+$0x50]  }
0x73: {  	v15 =	vadd.f32 v18, v15;
	v33 =	vld [tilespmem:s20+$0x60];
	s31 =	sshll.u32 s21, $0x7;
	v16 =	vadd.f32 v22, v16;
	v62 =	vmul.f32 v19, v19  }
0x74: {  	v13 =	vadd.f32 v19, v13;
	v34 =	vld [tilespmem:s31+$0x2900];
	v14 =	vadd.f32 v61, v14;
	v32 =	vmul.f32 v17, v17  }
0x75: {  	v30 =	vld [tilespmem:s31+$0x2910];
	v8 =	vadd.f32 v17, v8;
	v11 =	vadd.f32 v62, v11  }
0x76: {  	v58 =	vld [tilespmem:s31+$0x2970];
	v10 =	vadd.f32 v20, v10;
	v35 =	vmul.f32 v20, v20;
	v9 =	vadd.f32 v32, v9  }
0x77: {  	v36 =	vld [tilespmem:s31+$0x4900];
	v12 =	vadd.f32 v21, v12;
	v4 =	vadd.f32 v25, v4  }
0x78: {  	v39 =	vld [tilespmem:s31+$0x4910];
	v38 =	vmul.f32 v25, v25;
	v7 =	vadd.f32 v35, v7;
	v3 =	vadd.f32 v26, v3  }
0x79: {  	v41 =	vld [tilespmem:s31+$0x2920];
	v40 =	vmul.f32 v26, v26;
	v1 =	vadd.f32 v24, v1;
	v4 =	vadd.f32 v34, v4  }
0x7a: {  	v42 =	vld [tilespmem:s31+$0x4920];
	v5 =	vadd.f32 v38, v5;
	v3 =	vadd.f32 v30, v3  }
0x7b: {  	v48 =	vld [tilespmem:s31+$0x4940];
	v43 =	vmul.f32 v27, v27;
	v16 =	vadd.f32 v40, v16;
	v1 =	vadd.f32 v58, v1;
	[tilespmem:s31+$0x2900] =	vst v4  }
0x7c: {  	v52 =	vld [tilespmem:s31+$0x4950];
	v15 =	vadd.f32 v27, v15;
	v49 =	vmul.f32 v29, v29;
	v5 =	vadd.f32 v36, v5;
	[tilespmem:s31+$0x2910] =	vst v3  }
0x7d: {  	v59 =	vld [tilespmem:s31+$0x4970];
	v53 =	vmul.f32 v63, v63;
	v14 =	vadd.f32 v43, v14;
	v16 =	vadd.f32 v39, v16;
	[tilespmem:s31+$0x2970] =	vst v1  }
0x7e: {  	v44 =	vld [tilespmem:s31+$0x2930];
	v60 =	vmul.f32 v24, v24;
	v9 =	vadd.f32 v49, v9;
	v3 =	vadd.f32 v41, v15;
	[tilespmem:s31+$0x4900] =	vst v5  }
0x7f: {  	v62 =	vld [tilespmem:s31+$0x6900];
	v7 =	vadd.f32 v53, v7;
	v50 =	vadd.f32 v42, v14;
	[tilespmem:s31+$0x4910] =	vst v16  }
0x80: {  	v47 =	vld [tilespmem:s31+$0x2940];
	v37 =	vmul.f32 v21, v21;
	v2 =	vadd.f32 v60, v2;
	v57 =	vadd.f32 v48, v9;
	[tilespmem:s31+$0x2920] =	vst v3  }
0x81: {  	v55 =	vld [tilespmem:s31+$0x4960];
	v13 =	vadd.f32 v28, v13;
	v61 =	vadd.f32 v52, v7;
	[tilespmem:s31+$0x4920] =	vst v50  }
0x82: {  	v51 =	vld [tilespmem:s31+$0x2950];
	v56 =	vmul.f32 v33, v33;
	v6 =	vadd.f32 v37, v6;
	v2 =	vadd.f32 v59, v2;
	[tilespmem:s31+$0x4940] =	vst v57  }
0x83: {  	v45 =	vld [tilespmem:s31+$0x4930];
	v8 =	vadd.f32 v29, v8;
	v3 =	vadd.f32 v44, v13;
	[tilespmem:s31+$0x4950] =	vst v61  }
0x84: {  	v54 =	vld [tilespmem:s31+$0x2960];
	v46 =	vmul.f32 v28, v28;
	v6 =	vadd.f32 v56, v6;
	v1 =	vadd.f32 $8.000000000e+01, v62;
	[tilespmem:s31+$0x4970] =	vst v2  }
0x85: {  	v10 =	vadd.f32 v63, v10;
	[tilespmem:s31+$0x2930] =	vst v3;
	v3 =	vadd.f32 v47, v8  }
0x86: {  	v63 =	vadd.f32 v55, v6;
	v5 =	vadd.f32 v46, v11;
	[tilespmem:s31+$0x6900] =	vst v1  }
.Ltmp7:
0x87: {  	v12 =	vadd.f32 v33, v12;
	[tilespmem:s31+$0x2940] =	vst v3;
	v3 =	vadd.f32 v51, v10;
	(pc) =	sbr.rel .LBB2_11-.Ltmp7, $4  }
0x88: {  	[tilespmem:s31+$0x4960] =	vst v63;
	v4 =	vadd.f32 v45, v5  }
0x89: {  	[tilespmem:s31+$0x2950] =	vst v3;
	v3 =	vadd.f32 v54, v12  }
0x8a: {  	[tilespmem:s31+$0x4930] =	vst v4  }
0x8b: {  	[tilespmem:s31+$0x2960] =	vst v3  }
.LBB2_8:
0x8c: {  	s21 =	simm.s32 $0x0  }
0x8d: {  	v1 =	vld [tilespmem:s21+$0x2800];
	_ =	sdelay $0x4  }
0x8e: {  	(v2sf) =	vpush v1, $0x0;
	_ =	sdelay $0xe  }
0x8f: {  	s31 =	spop (v2sf)  }
0x90: {  	v1 =	vld [tilespmem:s20+$0xFFFFFFC0];
	s21 =	sshll.u32 s31, $0x7  }
0x91: {  	v2 =	vld [tilespmem:s21+$0x2900]  }
0x92: {  	v3 =	vld [tilespmem:s21+$0x4900];
	_ =	sdelay $0x2  }
0x93: {  	v4 =	vmul.f32 v1, v1  }
0x94: {  	v1 =	vadd.f32 v2, v1  }
0x95: {  	v2 =	vadd.f32 v3, v4  }
0x96: {  	[tilespmem:s21+$0x2900] =	vst v1  }
0x97: {  	[tilespmem:s21+$0x4900] =	vst v2  }
0x98: {  	v1 =	vld [tilespmem:s20+$0xFFFFFFD0]  }
0x99: {  	v2 =	vld [tilespmem:s21+$0x2910]  }
0x9a: {  	v3 =	vld [tilespmem:s21+$0x4910];
	_ =	sdelay $0x2  }
0x9b: {  	v57 =	vmul.f32 v1, v1  }
0x9c: {  	v1 =	vadd.f32 v2, v1  }
0x9d: {  	v2 =	vadd.f32 v3, v57  }
0x9e: {  	[tilespmem:s21+$0x2910] =	vst v1  }
0x9f: {  	[tilespmem:s21+$0x4910] =	vst v2  }
0xa0: {  	v1 =	vld [tilespmem:s20+$0xFFFFFFE0]  }
0xa1: {  	v2 =	vld [tilespmem:s21+$0x2920]  }
0xa2: {  	v3 =	vld [tilespmem:s21+$0x4920];
	_ =	sdelay $0x2  }
0xa3: {  	v58 =	vmul.f32 v1, v1  }
0xa4: {  	v1 =	vadd.f32 v2, v1  }
0xa5: {  	v2 =	vadd.f32 v3, v58  }
0xa6: {  	[tilespmem:s21+$0x2920] =	vst v1  }
0xa7: {  	[tilespmem:s21+$0x4920] =	vst v2  }
0xa8: {  	v1 =	vld [tilespmem:s20+$0xFFFFFFF0]  }
0xa9: {  	v2 =	vld [tilespmem:s21+$0x2930]  }
0xaa: {  	v3 =	vld [tilespmem:s21+$0x4930];
	_ =	sdelay $0x2  }
0xab: {  	v59 =	vmul.f32 v1, v1  }
0xac: {  	v1 =	vadd.f32 v2, v1  }
0xad: {  	v2 =	vadd.f32 v3, v59  }
0xae: {  	[tilespmem:s21+$0x2930] =	vst v1  }
0xaf: {  	[tilespmem:s21+$0x4930] =	vst v2  }
0xb0: {  	v1 =	vld [tilespmem:s20+$0x0]  }
0xb1: {  	v2 =	vld [tilespmem:s21+$0x2940]  }
0xb2: {  	v3 =	vld [tilespmem:s21+$0x4940];
	_ =	sdelay $0x2  }
0xb3: {  	v60 =	vmul.f32 v1, v1  }
0xb4: {  	v1 =	vadd.f32 v2, v1  }
0xb5: {  	v2 =	vadd.f32 v3, v60  }
0xb6: {  	[tilespmem:s21+$0x2940] =	vst v1  }
0xb7: {  	[tilespmem:s21+$0x4940] =	vst v2  }
0xb8: {  	v1 =	vld [tilespmem:s20+$0x10]  }
0xb9: {  	v2 =	vld [tilespmem:s21+$0x2950]  }
0xba: {  	v3 =	vld [tilespmem:s21+$0x4950];
	_ =	sdelay $0x2  }
0xbb: {  	v61 =	vmul.f32 v1, v1  }
0xbc: {  	v1 =	vadd.f32 v2, v1  }
0xbd: {  	v2 =	vadd.f32 v3, v61  }
0xbe: {  	[tilespmem:s21+$0x2950] =	vst v1  }
0xbf: {  	[tilespmem:s21+$0x4950] =	vst v2  }
0xc0: {  	v1 =	vld [tilespmem:s20+$0x20]  }
0xc1: {  	v2 =	vld [tilespmem:s21+$0x2960]  }
0xc2: {  	v3 =	vld [tilespmem:s21+$0x4960];
	_ =	sdelay $0x2  }
0xc3: {  	v62 =	vmul.f32 v1, v1  }
0xc4: {  	v1 =	vadd.f32 v2, v1  }
0xc5: {  	v3 =	vadd.f32 v3, v62  }
0xc6: {  	v2 =	vld [tilespmem:s21+$0x6900];
	[tilespmem:s21+$0x2960] =	vst v1  }
0xc7: {  	v1 =	vld [tilespmem:s21+$0x2970];
	[tilespmem:s21+$0x4960] =	vst v3  }
0xc8: {  	v3 =	vld [tilespmem:s20+$0x30];
	_ =	sdelay $0x1  }
0xc9: {  	v63 =	vld [tilespmem:s21+$0x4970];
	_ =	sdelay $0x1  }
0xca: {  	v2 =	vadd.f32 $1.000000000e+00, v2  }
0xcb: {  	v1 =	vadd.f32 v1, v3;
	v3 =	vmul.f32 v3, v3  }
0xcc: {  	[tilespmem:s21+$0x6900] =	vst v2  }
0xcd: {  	s22 =	simm.s32 $0x4;
	[tilespmem:s21+$0x2970] =	vst v1;
	v1 =	vadd.f32 v63, v3  }
.LBB2_9:
0xce: {  	p0 =	sne.s32 s22, $0x13C  }
0xcf: {  	s20 =	sadd.s32 $0x80, s20;
	s23 =	smov.u32 s22;
	s22 =	sadd.s32 $0x4, s22  }
0xd0: {  	s23 =	sshra.s32 s23, $0x2;
	[tilespmem:s21+$0x4970] =	vst v1  }
0xd1: {  	v1 =	vld [tilespmem:s23+$0x2800];
	_ =	sdelay $0x4  }
0xd2: {  	(v2sf) =	vpush v1, $0x0;
	_ =	sdelay $0xe  }
0xd3: {  	v1 =	vld [tilespmem:s20+$0xFFFFFFC0];
	s21 =	spop (v2sf)  }
0xd4: {  	s21 =	sshll.u32 s21, $0x7  }
0xd5: {  	v2 =	vld [tilespmem:s21+$0x2900]  }
0xd6: {  	v3 =	vld [tilespmem:s21+$0x4900];
	_ =	sdelay $0x1  }
0xd7: {  	v4 =	vmul.f32 v1, v1;
	_ =	sdelay $0x1  }
0xd8: {  	v1 =	vadd.f32 v2, v1  }
0xd9: {  	v2 =	vadd.f32 v3, v4  }
0xda: {  	[tilespmem:s21+$0x2900] =	vst v1  }
0xdb: {  	[tilespmem:s21+$0x4900] =	vst v2;
	v1 =	vld [tilespmem:s21+$0x2910]  }
0xdc: {  	v2 =	vld [tilespmem:s20+$0xFFFFFFD0]  }
0xdd: {  	v3 =	vld [tilespmem:s21+$0x4910];
	_ =	sdelay $0x3  }
0xde: {  	v1 =	vadd.f32 v1, v2;
	v2 =	vmul.f32 v2, v2;
	_ =	sdelay $0x1  }
0xdf: {  	v2 =	vadd.f32 v3, v2  }
0xe0: {  	[tilespmem:s21+$0x2910] =	vst v1  }
0xe1: {  	[tilespmem:s21+$0x4910] =	vst v2;
	v1 =	vld [tilespmem:s21+$0x2920]  }
0xe2: {  	v2 =	vld [tilespmem:s20+$0xFFFFFFE0]  }
0xe3: {  	v3 =	vld [tilespmem:s21+$0x4920];
	_ =	sdelay $0x3  }
0xe4: {  	v1 =	vadd.f32 v1, v2;
	v2 =	vmul.f32 v2, v2;
	_ =	sdelay $0x1  }
0xe5: {  	v2 =	vadd.f32 v3, v2  }
0xe6: {  	[tilespmem:s21+$0x2920] =	vst v1  }
0xe7: {  	[tilespmem:s21+$0x4920] =	vst v2;
	v1 =	vld [tilespmem:s21+$0x2930]  }
0xe8: {  	v2 =	vld [tilespmem:s20+$0xFFFFFFF0]  }
0xe9: {  	v3 =	vld [tilespmem:s21+$0x4930];
	_ =	sdelay $0x3  }
0xea: {  	v1 =	vadd.f32 v1, v2;
	v2 =	vmul.f32 v2, v2;
	_ =	sdelay $0x1  }
0xeb: {  	[tilespmem:s21+$0x2930] =	vst v1;
	v1 =	vadd.f32 v3, v2;
	_ =	sdelay $0x1  }
0xec: {  	[tilespmem:s21+$0x4930] =	vst v1;
	v1 =	vld [tilespmem:s21+$0x2940]  }
0xed: {  	v2 =	vld [tilespmem:s20+$0x0]  }
0xee: {  	v3 =	vld [tilespmem:s21+$0x4940];
	_ =	sdelay $0x3  }
0xef: {  	v1 =	vadd.f32 v1, v2;
	v2 =	vmul.f32 v2, v2;
	_ =	sdelay $0x1  }
0xf0: {  	[tilespmem:s21+$0x2940] =	vst v1;
	v1 =	vadd.f32 v3, v2;
	_ =	sdelay $0x1  }
0xf1: {  	[tilespmem:s21+$0x4940] =	vst v1;
	v1 =	vld [tilespmem:s21+$0x2950]  }
0xf2: {  	v2 =	vld [tilespmem:s20+$0x10]  }
0xf3: {  	v3 =	vld [tilespmem:s21+$0x4950];
	_ =	sdelay $0x3  }
0xf4: {  	v1 =	vadd.f32 v1, v2;
	v2 =	vmul.f32 v2, v2;
	_ =	sdelay $0x1  }
0xf5: {  	[tilespmem:s21+$0x2950] =	vst v1;
	v1 =	vadd.f32 v3, v2;
	_ =	sdelay $0x1  }
0xf6: {  	[tilespmem:s21+$0x4950] =	vst v1;
	v1 =	vld [tilespmem:s21+$0x2960]  }
0xf7: {  	v2 =	vld [tilespmem:s20+$0x20]  }
0xf8: {  	v3 =	vld [tilespmem:s21+$0x4960];
	_ =	sdelay $0x2  }
0xf9: {  	v4 =	vld [tilespmem:s21+$0x6900]  }
0xfa: {  	v1 =	vadd.f32 v1, v2;
	v2 =	vmul.f32 v2, v2;
	_ =	sdelay $0x1  }
0xfb: {  	[tilespmem:s21+$0x2960] =	vst v1;
	v1 =	vadd.f32 v3, v2;
	_ =	sdelay $0x1  }
0xfc: {  	[tilespmem:s21+$0x4960] =	vst v1;
	v1 =	vld [tilespmem:s21+$0x2970];
	v2 =	vadd.f32 $1.000000000e+00, v4  }
0xfd: {  	v3 =	vld [tilespmem:s20+$0x30]  }
0xfe: {  	v4 =	vld [tilespmem:s21+$0x4970];
	[tilespmem:s21+$0x6900] =	vst v2;
	_ =	sdelay $0x1  }
.Ltmp8:
0xff: {  	(pc) =	sbr.rel @p0 .LBB2_9-.Ltmp8, $3  }
0x100: {  	_ = 	snop  }
0x101: {  	v1 =	vadd.f32 v1, v3;
	v2 =	vmul.f32 v3, v3;
	_ =	sdelay $0x1  }
0x102: {  	[tilespmem:s21+$0x2970] =	vst v1;
	v1 =	vadd.f32 v4, v2  }
.Ltmp9:
0x103: {  	_ = 	snop;
	(pc) =	sbr.rel .LBB2_10-.Ltmp9, $1  }
0x104: {  	_ =	sdelay $0x3  }
.LBB2_13:
0x105: {  	_ =	sfence.sel $0x180000  }
0x106: {  	[bflag:$0x0] =	sbarrier.arrive $0xFFFF  }
0x107: {  	p0 =	sne.s32 s2, $0x0;
	_ =	strace $0x90000047  }
0x108: {  	s0 =	sadd.s32 @!p0 $0x100000, s0;
	[bflag:$0x2] =	sbarrier.arrive $0xFFFF  }
0x109: {  	[sflag:s0] =	ssyncadd.tile.s32 @!p0 $0x1;
	_ =	shalt  }
.Lfunc_end2:
_tile_overlayer_lowered:
.L_overlay_start_2:
0x10a: {  	(tag) =	ssettag $0x2  }
0x10b: {  	s0 =	rddreg [dreg:$0x0];
	s2 =	stileid.u32  }
0x10c: {  	s1 =	rddreg [dreg:$0x1];
	p0 =	sne.s32 s2, $0x0  }
0x10d: {  	s3 =	rddreg [dreg:$0x2];
	[bflag:$0x3] =	sbarrier.arrive $0xFFFF;
	s2 =	simm.s32 @!p0 $0x1C01  }
0x10e: {  	[timem:s3], [sflag:s2] =	dma.local @!p0 [hbm:s0], s1  }
0x10f: {  	s0 =	simm.s32 @!p0 $0x1  }
0x110: {  	_ =	swait.ge @!p0 [sflag:s0], s1  }
0x111: {  	s1 =	ssub.s32 @!p0 $0x0, s1;
	[sflag:s0] =	ssyncset.done @!p0 $0x0  }
0x112: {  	[sflag:s0] =	ssyncadd.s32 @!p0 s1  }
0x113: {  	[bflag:$0x3] =	sbarrier.arrive $0xFFFF  }
0x114: {  	_ =	shalt  }

</sc_bundles>
